<compile_context>
chip_gen: v7x
topology: tpu7x:2x2x1
jax: 0.10.2.dev20260603
libtpu: 0.0.44.dev20260713+nightly
codegen_flags: <defaults>
</compile_context>

<pallas_src>
import jax
import jax.numpy as jnp
from jax import lax
from jax.experimental import pallas as pl
from jax.experimental.pallas import tpu as pltpu
import jax.experimental.pallas.tpu_sc as plsc

_NUM_CORES = 2
_NUM_SUBCORES = 16
_SUB = 512


def _tc_argmax_kernel(x_ref, cb_ref, idx_ref, en_ref, e2_ref):
    i = pl.program_id(0)

    @pl.when(i == 0)
    def _prep():
        cb = cb_ref[...]
        cs = jnp.sum(cb * cb, axis=1, keepdims=True)
        en = cb / jnp.maximum(jnp.sqrt(cs), 1e-12)
        en_ref[...] = en
        e2_ref[...] = jnp.sum(en * en, axis=1).reshape(1, en.shape[0])

    x = x_ref[...]
    xs = jnp.sum(x * x, axis=1, keepdims=True)
    xn = x / jnp.maximum(jnp.sqrt(xs), 1e-12)
    x2 = jnp.sum(xn * xn, axis=1, keepdims=True)

    dot = jax.lax.dot_general(
        xn, en_ref[...], (((1,), (1,)), ((), ())),
        preferred_element_type=jnp.float32)
    d2 = x2 + e2_ref[...] - 2.0 * dot
    idx_ref[0, 0, :] = jnp.argmin(d2, axis=1).astype(jnp.int32)


def _sc_gather_loss_kernel(idx_hbm, cb_hbm, x_hbm, q_hbm, part_hbm,
                           idx_v, x_v, rows_a, rows_b, acc_v,
                           sem_i, sem_x, sem_ga, sem_gb, sem_oa, sem_ob,
                           sem_p):
    c = lax.axis_index("c")
    s = lax.axis_index("s")
    tile = c * _NUM_SUBCORES + s
    n_tiles = _NUM_CORES * _NUM_SUBCORES
    n = q_hbm.shape[0]
    per_tile = n // n_tiles
    n_sub = per_tile // _SUB
    tbase = tile * per_tile

    cp_i = pltpu.make_async_copy(
        idx_hbm.at[pl.ds(tbase, per_tile)], idx_v, sem_i)
    cp_i.start()
    cp_x = pltpu.make_async_copy(
        x_hbm.at[pl.ds(tbase, per_tile)], x_v, sem_x)
    cp_x.start()
    cp_i.wait()

    rows = [rows_a, rows_b]
    sem_g = [sem_ga, sem_gb]
    sem_o = [sem_oa, sem_ob]
    gathers = [None, None]
    outs = [None, None]

    def _gather(j):
        buf = j % 2
        g = pltpu.make_async_copy(
            cb_hbm.at[idx_v.at[pl.ds(j * _SUB, _SUB)]], rows[buf],
            sem_g[buf])
        g.start()
        gathers[buf] = g

    _gather(0)
    cp_x.wait()
    a0 = jnp.zeros((16,), jnp.float32)
    a1 = jnp.zeros((16,), jnp.float32)

    for j in range(n_sub):
        cur = j % 2
        nxt = (j + 1) % 2
        gathers[cur].wait()
        if j + 1 < n_sub:
            if outs[nxt] is not None:
                outs[nxt].wait()
            _gather(j + 1)
        o = pltpu.make_async_copy(
            rows[cur], q_hbm.at[pl.ds(tbase + j * _SUB, _SUB)], sem_o[cur])
        o.start()
        outs[cur] = o

        def tok4(i, accs, _j=j, _cur=cur):
            b0, b1 = accs
            for u in range(4):
                r = i * 4 + u
                xr = _j * _SUB + r
                d0 = rows[_cur][r, pl.ds(0, 16)] - x_v[xr, pl.ds(0, 16)]
                d1 = rows[_cur][r, pl.ds(16, 16)] - x_v[xr, pl.ds(16, 16)]
                b0 += d0 * d0
                b1 += d1 * d1
            return b0, b1

        a0, a1 = lax.fori_loop(0, _SUB // 4, tok4, (a0, a1))

    acc_v[...] = a0 + a1
    for o in outs:
        if o is not None:
            o.wait()

    cp_p = pltpu.make_async_copy(acc_v, part_hbm.at[tile], sem_p)
    cp_p.start()
    cp_p.wait()


def kernel(x, codebook):
    b, t, d = x.shape
    k = codebook.shape[0]
    n = b * t
    blk = 1024
    nb = n // blk
    xf = x.reshape(n, d)

    idx = pl.pallas_call(
        _tc_argmax_kernel,
        grid=(nb,),
        in_specs=[
            pl.BlockSpec((blk, d), lambda i: (i, 0)),
            pl.BlockSpec((k, d), lambda i: (0, 0)),
        ],
        out_specs=pl.BlockSpec((1, 1, blk), lambda i: (i, 0, 0)),
        out_shape=jax.ShapeDtypeStruct((nb, 1, blk), jnp.int32),
        scratch_shapes=[pltpu.VMEM((k, d), jnp.float32),
                        pltpu.VMEM((1, k), jnp.float32)],
    )(xf, codebook)
    idx_flat = idx.reshape(n)

    n_tiles = _NUM_CORES * _NUM_SUBCORES
    sc_gather = pl.kernel(
        _sc_gather_loss_kernel,
        out_type=[
            jax.ShapeDtypeStruct((n, d), jnp.float32),
            jax.ShapeDtypeStruct((n_tiles, 16), jnp.float32),
        ],
        mesh=plsc.VectorSubcoreMesh(
            core_axis_name="c", subcore_axis_name="s",
            num_cores=_NUM_CORES, num_subcores=_NUM_SUBCORES),
        compiler_params=pltpu.CompilerParams(use_tc_tiling_on_sc=False),
        scratch_types=[
            pltpu.VMEM((n // n_tiles,), jnp.int32),
            pltpu.VMEM((n // n_tiles, d), jnp.float32),
            pltpu.VMEM((_SUB, d), jnp.float32),
            pltpu.VMEM((_SUB, d), jnp.float32),
            pltpu.VMEM((16,), jnp.float32),
            pltpu.SemaphoreType.DMA,
            pltpu.SemaphoreType.DMA,
            pltpu.SemaphoreType.DMA,
            pltpu.SemaphoreType.DMA,
            pltpu.SemaphoreType.DMA,
            pltpu.SemaphoreType.DMA,
            pltpu.SemaphoreType.DMA,
        ],
    )
    q, parts = sc_gather(idx_flat, codebook, xf)

    quantized_st = q.reshape(b, t, d)
    indices = idx.reshape(b, t)
    quantize_loss = (1.25 / (n * d)) * jnp.sum(parts)
    return (quantized_st, indices, quantize_loss)

# --- scband reference (transcript-rebuilt; emitter-appended) ---
"""Pipeline reference for scband-quantizer-53626961658225 (READ-ONLY COPY).

The authoritative reference and input builder live on the scoring server;
editing this copy changes nothing except your own understanding.
"""

import jax, jax.numpy as jnp
import numpy as np

CODEBOOK_SIZE = 1024
LATENT_DIM = 32
BATCH = 256
TOKENS = 256


def setup_inputs(seed: int = 0) -> dict:
    key = jax.random.key(seed)
    kx, kw = jax.random.split(key)
    x = jax.random.normal(kx, (BATCH, TOKENS, LATENT_DIM), dtype=jnp.float32)
    # nn.Embedding weight initialized uniform(-1/K, 1/K) per the module
    codebook = jax.random.uniform(
        kw, (CODEBOOK_SIZE, LATENT_DIM), dtype=jnp.float32,
        minval=-1.0 / CODEBOOK_SIZE, maxval=1.0 / CODEBOOK_SIZE)
    return {"x": x, "codebook": codebook}


def _l2_normalize(v, axis=-1, eps=1e-12):
    # matches torch.nn.functional.normalize(p=2)
    n = jnp.sqrt(jnp.sum(v * v, axis=axis, keepdims=True))
    return v / jnp.maximum(n, eps)


def reference(x, codebook):
    xn = _l2_normalize(x, axis=-1)
    en = _l2_normalize(codebook, axis=-1)
    # torch.cdist (euclidean) between xn [B,L,d] and en [K,d]
    x2 = jnp.sum(xn * xn, axis=-1, keepdims=True)            # [B,L,1]
    e2 = jnp.sum(en * en, axis=-1)                           # [K]
    d2 = x2 + e2[None, None, :] - 2.0 * jnp.einsum('bld,kd->blk', xn, en)
    dist = jnp.sqrt(jnp.maximum(d2, 0.0))                    # [B,L,K]
    indices = jnp.argmin(dist, axis=-1)                      # [B,L]
    quantized = jnp.take(codebook, indices, axis=0)          # embedding lookup
    codebook_loss = jnp.mean((quantized - jax.lax.stop_gradient(x)) ** 2)
    commitment_loss = 0.25 * jnp.mean((jax.lax.stop_gradient(quantized) - x) ** 2)
    quantize_loss = codebook_loss + commitment_loss
    quantized_st = x + jax.lax.stop_gradient(quantized - x)  # straight-through
    return (quantized_st, indices, quantize_loss)

if __name__ == "__main__":
    import jax
    _d = setup_inputs()
    print(jax.jit(kernel)(*tuple(_d.values())))

</pallas_src>

<mosaic_0001>
#map = affine_map<(d0, d1) -> (0)>
#map1 = affine_map<(d0, d1) -> (0, 0)>
module attributes {stable_mosaic.version = 14 : i64} {
  func.func @_sc_gather_loss_kernel(%arg0: i32, %arg1: i32, %arg2: memref<65536xi32, #tpu.memory_space<hbm>>, %arg3: memref<1024x32xf32, #tpu.memory_space<hbm>>, %arg4: memref<65536x32xf32, #tpu.memory_space<hbm>>, %arg5: memref<65536x32xf32, #tpu.memory_space<hbm>>, %arg6: memref<32x16xf32, #tpu.memory_space<hbm>>, %arg7: memref<2048xi32, #tpu.memory_space<vmem>>, %arg8: memref<2048x32xf32, #tpu.memory_space<vmem>>, %arg9: memref<512x32xf32, #tpu.memory_space<vmem>>, %arg10: memref<512x32xf32, #tpu.memory_space<vmem>>, %arg11: memref<16xf32, #tpu.memory_space<vmem>>, %arg12: memref<!tpu.dma_semaphore, #tpu.memory_space<semaphore_mem>>, %arg13: memref<!tpu.dma_semaphore, #tpu.memory_space<semaphore_mem>>, %arg14: memref<!tpu.dma_semaphore, #tpu.memory_space<semaphore_mem>>, %arg15: memref<!tpu.dma_semaphore, #tpu.memory_space<semaphore_mem>>, %arg16: memref<!tpu.dma_semaphore, #tpu.memory_space<semaphore_mem>>, %arg17: memref<!tpu.dma_semaphore, #tpu.memory_space<semaphore_mem>>, %arg18: memref<!tpu.dma_semaphore, #tpu.memory_space<semaphore_mem>>) attributes {dimension_semantics = [#tpu.dimension_semantics<core_parallel>, #tpu.dimension_semantics<subcore_parallel>], iteration_bounds = array<i64: 2, 16>, scalar_prefetch = 0 : i64, scratch_operands = 12 : i64, tpu.core_type = #tpu.core_type<sc_vector_subcore>, window_params = [{transform_indices = #map}, {transform_indices = #map1}, {transform_indices = #map1}, {transform_indices = #map1}, {transform_indices = #map1}]} {
    %mul3A = arith.constant 16 : i32
    %mul3A_0 = arith.muli %arg0, %mul3A : i32
    %add3A = arith.addi %mul3A_0, %arg1 : i32
    %mul3A_1 = arith.constant 2048 : i32
    %mul3A_2 = arith.muli %add3A, %mul3A_1 : i32
    %dma_start3A = tpu.memref_slice %arg2[%mul3A_2] : memref<65536xi32, #tpu.memory_space<hbm>> -> memref<2048xi32, #tpu.memory_space<hbm>>
    %dma_start3A_3 = tpu.memref_slice %arg2[%mul3A_2] : memref<65536xi32, #tpu.memory_space<hbm>> -> memref<2048xi32, #tpu.memory_space<hbm>>
    tpu.enqueue_dma source(%dma_start3A_3 : memref<2048xi32, #tpu.memory_space<hbm>>) target(%arg7 : memref<2048xi32, #tpu.memory_space<vmem>>) target_semaphore(%arg12 : memref<!tpu.dma_semaphore, #tpu.memory_space<semaphore_mem>>)
    %dma_start3A_4 = arith.constant 0 : i32
    %dma_start3A_5 = tpu.memref_slice %arg4[%mul3A_2, %dma_start3A_4] : memref<65536x32xf32, #tpu.memory_space<hbm>> -> memref<2048x32xf32, #tpu.memory_space<hbm>>
    %dma_start3A_6 = arith.constant 0 : i32
    %dma_start3A_7 = tpu.memref_slice %arg4[%mul3A_2, %dma_start3A_6] : memref<65536x32xf32, #tpu.memory_space<hbm>> -> memref<2048x32xf32, #tpu.memory_space<hbm>>
    tpu.enqueue_dma source(%dma_start3A_7 : memref<2048x32xf32, #tpu.memory_space<hbm>>) target(%arg8 : memref<2048x32xf32, #tpu.memory_space<vmem>>) target_semaphore(%arg13 : memref<!tpu.dma_semaphore, #tpu.memory_space<semaphore_mem>>)
    %dma_wait3A = tpu.memref_slice %arg2[%mul3A_2] : memref<65536xi32, #tpu.memory_space<hbm>> -> memref<2048xi32, #tpu.memory_space<hbm>>
    %dma_wait3A_8 = tpu.memref_slice %arg2[%mul3A_2] : memref<65536xi32, #tpu.memory_space<hbm>> -> memref<2048xi32, #tpu.memory_space<hbm>>
    tpu.wait_dma2 semaphore(%arg12 : memref<!tpu.dma_semaphore, #tpu.memory_space<semaphore_mem>>) src(%dma_wait3A_8 : memref<2048xi32, #tpu.memory_space<hbm>>) dst(%arg7 : memref<2048xi32, #tpu.memory_space<vmem>>)
    %dma_start3A_9 = arith.constant 0 : i32
    %dma_start3A_10 = tpu.memref_slice %arg7[%dma_start3A_9] : memref<2048xi32, #tpu.memory_space<vmem>> -> memref<512xi32, #tpu.memory_space<vmem>>
    %dma_start3A_11 = arith.constant 0 : i32
    %dma_start3A_12 = arith.constant 0 : i32
    %dma_start3A_13 = tpu.memref_slice %arg3[%dma_start3A_11, %dma_start3A_12] : memref<1024x32xf32, #tpu.memory_space<hbm>> -> memref<1024x32xf32, #tpu.memory_space<hbm>>
    tpu.enqueue_indirect_dma source(%dma_start3A_13 : memref<1024x32xf32, #tpu.memory_space<hbm>>) target(%arg9 : memref<512x32xf32, #tpu.memory_space<vmem>>) offsets(%dma_start3A_10 : memref<512xi32, #tpu.memory_space<vmem>>) semaphore(%arg14 : memref<!tpu.dma_semaphore, #tpu.memory_space<semaphore_mem>>)
    %dma_wait3A_14 = arith.constant 0 : i32
    %dma_wait3A_15 = tpu.memref_slice %arg4[%mul3A_2, %dma_wait3A_14] : memref<65536x32xf32, #tpu.memory_space<hbm>> -> memref<2048x32xf32, #tpu.memory_space<hbm>>
    %dma_wait3A_16 = arith.constant 0 : i32
    %dma_wait3A_17 = tpu.memref_slice %arg4[%mul3A_2, %dma_wait3A_16] : memref<65536x32xf32, #tpu.memory_space<hbm>> -> memref<2048x32xf32, #tpu.memory_space<hbm>>
    tpu.wait_dma2 semaphore(%arg13 : memref<!tpu.dma_semaphore, #tpu.memory_space<semaphore_mem>>) src(%dma_wait3A_17 : memref<2048x32xf32, #tpu.memory_space<hbm>>) dst(%arg8 : memref<2048x32xf32, #tpu.memory_space<vmem>>)
    %broadcast_in_dim3A = arith.constant 0.000000e+00 : f32
    %broadcast_in_dim3A_18 = vector.broadcast %broadcast_in_dim3A : f32 to vector<16xf32>
    %broadcast_in_dim3A_19 = arith.constant 0.000000e+00 : f32
    %broadcast_in_dim3A_20 = vector.broadcast %broadcast_in_dim3A_19 : f32 to vector<16xf32>
    %dma_wait3A_21 = arith.constant 0 : i32
    %dma_wait3A_22 = tpu.memref_slice %arg7[%dma_wait3A_21] : memref<2048xi32, #tpu.memory_space<vmem>> -> memref<512xi32, #tpu.memory_space<vmem>>
    %dma_wait3A_23 = arith.constant 0 : i32
    %dma_wait3A_24 = arith.constant 0 : i32
    %dma_wait3A_25 = tpu.memref_slice %arg3[%dma_wait3A_23, %dma_wait3A_24] : memref<1024x32xf32, #tpu.memory_space<hbm>> -> memref<1024x32xf32, #tpu.memory_space<hbm>>
    tpu.wait_indirect_dma semaphore(%arg14 : memref<!tpu.dma_semaphore, #tpu.memory_space<semaphore_mem>>) src(%dma_wait3A_25 : memref<1024x32xf32, #tpu.memory_space<hbm>>) dst(%arg9 : memref<512x32xf32, #tpu.memory_space<vmem>>)
    %dma_start3A_26 = arith.constant 512 : i32
    %dma_start3A_27 = tpu.memref_slice %arg7[%dma_start3A_26] : memref<2048xi32, #tpu.memory_space<vmem>> -> memref<512xi32, #tpu.memory_space<vmem>>
    %dma_start3A_28 = arith.constant 0 : i32
    %dma_start3A_29 = arith.constant 0 : i32
    %dma_start3A_30 = tpu.memref_slice %arg3[%dma_start3A_28, %dma_start3A_29] : memref<1024x32xf32, #tpu.memory_space<hbm>> -> memref<1024x32xf32, #tpu.memory_space<hbm>>
    tpu.enqueue_indirect_dma source(%dma_start3A_30 : memref<1024x32xf32, #tpu.memory_space<hbm>>) target(%arg10 : memref<512x32xf32, #tpu.memory_space<vmem>>) offsets(%dma_start3A_27 : memref<512xi32, #tpu.memory_space<vmem>>) semaphore(%arg15 : memref<!tpu.dma_semaphore, #tpu.memory_space<semaphore_mem>>)
    %add3A_31 = arith.constant 0 : i32
    %add3A_32 = arith.addi %mul3A_2, %add3A_31 : i32
    %dma_start3A_33 = arith.constant 0 : i32
    %dma_start3A_34 = tpu.memref_slice %arg5[%add3A_32, %dma_start3A_33] : memref<65536x32xf32, #tpu.memory_space<hbm>> -> memref<512x32xf32, #tpu.memory_space<hbm>>
    %dma_start3A_35 = arith.constant 0 : i32
    %dma_start3A_36 = tpu.memref_slice %arg5[%add3A_32, %dma_start3A_35] : memref<65536x32xf32, #tpu.memory_space<hbm>> -> memref<512x32xf32, #tpu.memory_space<hbm>>
    tpu.enqueue_dma source(%arg9 : memref<512x32xf32, #tpu.memory_space<vmem>>) target(%dma_start3A_36 : memref<512x32xf32, #tpu.memory_space<hbm>>) target_semaphore(%arg16 : memref<!tpu.dma_semaphore, #tpu.memory_space<semaphore_mem>>)
    %scan3A = arith.constant 0 : i32
    %scan3A_37 = arith.constant 128 : i32
    %scan3A_38 = arith.addi %scan3A, %scan3A_37 : i32
    %scan3A_39 = arith.constant 1 : i32
    %scan3A_40:2 = scf.for %scan3A_135 = %scan3A to %scan3A_38 step %scan3A_39 iter_args(%scan3A_136 = %broadcast_in_dim3A_18, %scan3A_137 = %broadcast_in_dim3A_20) -> (vector<16xf32>, vector<16xf32>)  : i32 {
      %mul3A_138 = arith.constant 4 : i32
      %mul3A_139 = arith.muli %scan3A_135, %mul3A_138 : i32
      %add3A_140 = arith.constant 0 : i32
      %add3A_141 = arith.addi %mul3A_139, %add3A_140 : i32
      %add3A_142 = arith.constant 0 : i32
      %add3A_143 = arith.addi %add3A_142, %add3A_141 : i32
      %get3A = arith.index_cast %add3A_141 : i32 to index
      %get3A_144 = arith.constant 0 : index
      %get3A_145 = tpu.vector_load %arg9[%get3A, %get3A_144] {strides = array<i32>} : memref<512x32xf32, #tpu.memory_space<vmem>>, vector<1x16xf32>,
      %get3A_146 = vector.shape_cast %get3A_145 : vector<1x16xf32> to vector<16xf32>
      %get3A_147 = arith.index_cast %add3A_143 : i32 to index
      %get3A_148 = arith.constant 0 : index
      %get3A_149 = tpu.vector_load %arg8[%get3A_147, %get3A_148] {strides = array<i32>} : memref<2048x32xf32, #tpu.memory_space<vmem>>, vector<1x16xf32>,
      %get3A_150 = vector.shape_cast %get3A_149 : vector<1x16xf32> to vector<16xf32>
      %sub3A = arith.subf %get3A_146, %get3A_150 : vector<16xf32>
      %get3A_151 = arith.index_cast %add3A_141 : i32 to index
      %get3A_152 = arith.constant 16 : index
      %get3A_153 = tpu.vector_load %arg9[%get3A_151, %get3A_152] {strides = array<i32>} : memref<512x32xf32, #tpu.memory_space<vmem>>, vector<1x16xf32>,
      %get3A_154 = vector.shape_cast %get3A_153 : vector<1x16xf32> to vector<16xf32>
      %get3A_155 = arith.index_cast %add3A_143 : i32 to index
      %get3A_156 = arith.constant 16 : index
      %get3A_157 = tpu.vector_load %arg8[%get3A_155, %get3A_156] {strides = array<i32>} : memref<2048x32xf32, #tpu.memory_space<vmem>>, vector<1x16xf32>,
      %get3A_158 = vector.shape_cast %get3A_157 : vector<1x16xf32> to vector<16xf32>
      %sub3A_159 = arith.subf %get3A_154, %get3A_158 : vector<16xf32>
      %mul3A_160 = arith.mulf %sub3A, %sub3A : vector<16xf32>
      %add3A_161 = arith.addf %scan3A_136, %mul3A_160 : vector<16xf32>
      %mul3A_162 = arith.mulf %sub3A_159, %sub3A_159 : vector<16xf32>
      %add3A_163 = arith.addf %scan3A_137, %mul3A_162 : vector<16xf32>
      %mul3A_164 = arith.constant 4 : i32
      %mul3A_165 = arith.muli %scan3A_135, %mul3A_164 : i32
      %add3A_166 = arith.constant 1 : i32
      %add3A_167 = arith.addi %mul3A_165, %add3A_166 : i32
      %add3A_168 = arith.constant 0 : i32
      %add3A_169 = arith.addi %add3A_168, %add3A_167 : i32
      %get3A_170 = arith.index_cast %add3A_167 : i32 to index
      %get3A_171 = arith.constant 0 : index
      %get3A_172 = tpu.vector_load %arg9[%get3A_170, %get3A_171] {strides = array<i32>} : memref<512x32xf32, #tpu.memory_space<vmem>>, vector<1x16xf32>,
      %get3A_173 = vector.shape_cast %get3A_172 : vector<1x16xf32> to vector<16xf32>
      %get3A_174 = arith.index_cast %add3A_169 : i32 to index
      %get3A_175 = arith.constant 0 : index
      %get3A_176 = tpu.vector_load %arg8[%get3A_174, %get3A_175] {strides = array<i32>} : memref<2048x32xf32, #tpu.memory_space<vmem>>, vector<1x16xf32>,
      %get3A_177 = vector.shape_cast %get3A_176 : vector<1x16xf32> to vector<16xf32>
      %sub3A_178 = arith.subf %get3A_173, %get3A_177 : vector<16xf32>
      %get3A_179 = arith.index_cast %add3A_167 : i32 to index
      %get3A_180 = arith.constant 16 : index
      %get3A_181 = tpu.vector_load %arg9[%get3A_179, %get3A_180] {strides = array<i32>} : memref<512x32xf32, #tpu.memory_space<vmem>>, vector<1x16xf32>,
      %get3A_182 = vector.shape_cast %get3A_181 : vector<1x16xf32> to vector<16xf32>
      %get3A_183 = arith.index_cast %add3A_169 : i32 to index
      %get3A_184 = arith.constant 16 : index
      %get3A_185 = tpu.vector_load %arg8[%get3A_183, %get3A_184] {strides = array<i32>} : memref<2048x32xf32, #tpu.memory_space<vmem>>, vector<1x16xf32>,
      %get3A_186 = vector.shape_cast %get3A_185 : vector<1x16xf32> to vector<16xf32>
      %sub3A_187 = arith.subf %get3A_182, %get3A_186 : vector<16xf32>
      %mul3A_188 = arith.mulf %sub3A_178, %sub3A_178 : vector<16xf32>
      %add3A_189 = arith.addf %add3A_161, %mul3A_188 : vector<16xf32>
      %mul3A_190 = arith.mulf %sub3A_187, %sub3A_187 : vector<16xf32>
      %add3A_191 = arith.addf %add3A_163, %mul3A_190 : vector<16xf32>
      %mul3A_192 = arith.constant 4 : i32
      %mul3A_193 = arith.muli %scan3A_135, %mul3A_192 : i32
      %add3A_194 = arith.constant 2 : i32
      %add3A_195 = arith.addi %mul3A_193, %add3A_194 : i32
      %add3A_196 = arith.constant 0 : i32
      %add3A_197 = arith.addi %add3A_196, %add3A_195 : i32
      %get3A_198 = arith.index_cast %add3A_195 : i32 to index
      %get3A_199 = arith.constant 0 : index
      %get3A_200 = tpu.vector_load %arg9[%get3A_198, %get3A_199] {strides = array<i32>} : memref<512x32xf32, #tpu.memory_space<vmem>>, vector<1x16xf32>,
      %get3A_201 = vector.shape_cast %get3A_200 : vector<1x16xf32> to vector<16xf32>
      %get3A_202 = arith.index_cast %add3A_197 : i32 to index
      %get3A_203 = arith.constant 0 : index
      %get3A_204 = tpu.vector_load %arg8[%get3A_202, %get3A_203] {strides = array<i32>} : memref<2048x32xf32, #tpu.memory_space<vmem>>, vector<1x16xf32>,
      %get3A_205 = vector.shape_cast %get3A_204 : vector<1x16xf32> to vector<16xf32>
      %sub3A_206 = arith.subf %get3A_201, %get3A_205 : vector<16xf32>
      %get3A_207 = arith.index_cast %add3A_195 : i32 to index
      %get3A_208 = arith.constant 16 : index
      %get3A_209 = tpu.vector_load %arg9[%get3A_207, %get3A_208] {strides = array<i32>} : memref<512x32xf32, #tpu.memory_space<vmem>>, vector<1x16xf32>,
      %get3A_210 = vector.shape_cast %get3A_209 : vector<1x16xf32> to vector<16xf32>
      %get3A_211 = arith.index_cast %add3A_197 : i32 to index
      %get3A_212 = arith.constant 16 : index
      %get3A_213 = tpu.vector_load %arg8[%get3A_211, %get3A_212] {strides = array<i32>} : memref<2048x32xf32, #tpu.memory_space<vmem>>, vector<1x16xf32>,
      %get3A_214 = vector.shape_cast %get3A_213 : vector<1x16xf32> to vector<16xf32>
      %sub3A_215 = arith.subf %get3A_210, %get3A_214 : vector<16xf32>
      %mul3A_216 = arith.mulf %sub3A_206, %sub3A_206 : vector<16xf32>
      %add3A_217 = arith.addf %add3A_189, %mul3A_216 : vector<16xf32>
      %mul3A_218 = arith.mulf %sub3A_215, %sub3A_215 : vector<16xf32>
      %add3A_219 = arith.addf %add3A_191, %mul3A_218 : vector<16xf32>
      %mul3A_220 = arith.constant 4 : i32
      %mul3A_221 = arith.muli %scan3A_135, %mul3A_220 : i32
      %add3A_222 = arith.constant 3 : i32
      %add3A_223 = arith.addi %mul3A_221, %add3A_222 : i32
      %add3A_224 = arith.constant 0 : i32
      %add3A_225 = arith.addi %add3A_224, %add3A_223 : i32
      %get3A_226 = arith.index_cast %add3A_223 : i32 to index
      %get3A_227 = arith.constant 0 : index
      %get3A_228 = tpu.vector_load %arg9[%get3A_226, %get3A_227] {strides = array<i32>} : memref<512x32xf32, #tpu.memory_space<vmem>>, vector<1x16xf32>,
      %get3A_229 = vector.shape_cast %get3A_228 : vector<1x16xf32> to vector<16xf32>
      %get3A_230 = arith.index_cast %add3A_225 : i32 to index
      %get3A_231 = arith.constant 0 : index
      %get3A_232 = tpu.vector_load %arg8[%get3A_230, %get3A_231] {strides = array<i32>} : memref<2048x32xf32, #tpu.memory_space<vmem>>, vector<1x16xf32>,
      %get3A_233 = vector.shape_cast %get3A_232 : vector<1x16xf32> to vector<16xf32>
      %sub3A_234 = arith.subf %get3A_229, %get3A_233 : vector<16xf32>
      %get3A_235 = arith.index_cast %add3A_223 : i32 to index
      %get3A_236 = arith.constant 16 : index
      %get3A_237 = tpu.vector_load %arg9[%get3A_235, %get3A_236] {strides = array<i32>} : memref<512x32xf32, #tpu.memory_space<vmem>>, vector<1x16xf32>,
      %get3A_238 = vector.shape_cast %get3A_237 : vector<1x16xf32> to vector<16xf32>
      %get3A_239 = arith.index_cast %add3A_225 : i32 to index
      %get3A_240 = arith.constant 16 : index
      %get3A_241 = tpu.vector_load %arg8[%get3A_239, %get3A_240] {strides = array<i32>} : memref<2048x32xf32, #tpu.memory_space<vmem>>, vector<1x16xf32>,
      %get3A_242 = vector.shape_cast %get3A_241 : vector<1x16xf32> to vector<16xf32>
      %sub3A_243 = arith.subf %get3A_238, %get3A_242 : vector<16xf32>
      %mul3A_244 = arith.mulf %sub3A_234, %sub3A_234 : vector<16xf32>
      %add3A_245 = arith.addf %add3A_217, %mul3A_244 : vector<16xf32>
      %mul3A_246 = arith.mulf %sub3A_243, %sub3A_243 : vector<16xf32>
      %add3A_247 = arith.addf %add3A_219, %mul3A_246 : vector<16xf32>
      scf.yield %add3A_245, %add3A_247 : vector<16xf32>, vector<16xf32>
    }
    %scan3A_41 = arith.constant 128 : i32
    %dma_wait3A_42 = arith.constant 512 : i32
    %dma_wait3A_43 = tpu.memref_slice %arg7[%dma_wait3A_42] : memref<2048xi32, #tpu.memory_space<vmem>> -> memref<512xi32, #tpu.memory_space<vmem>>
    %dma_wait3A_44 = arith.constant 0 : i32
    %dma_wait3A_45 = arith.constant 0 : i32
    %dma_wait3A_46 = tpu.memref_slice %arg3[%dma_wait3A_44, %dma_wait3A_45] : memref<1024x32xf32, #tpu.memory_space<hbm>> -> memref<1024x32xf32, #tpu.memory_space<hbm>>
    tpu.wait_indirect_dma semaphore(%arg15 : memref<!tpu.dma_semaphore, #tpu.memory_space<semaphore_mem>>) src(%dma_wait3A_46 : memref<1024x32xf32, #tpu.memory_space<hbm>>) dst(%arg10 : memref<512x32xf32, #tpu.memory_space<vmem>>)
    %dma_wait3A_47 = arith.constant 0 : i32
    %dma_wait3A_48 = tpu.memref_slice %arg5[%add3A_32, %dma_wait3A_47] : memref<65536x32xf32, #tpu.memory_space<hbm>> -> memref<512x32xf32, #tpu.memory_space<hbm>>
    %dma_wait3A_49 = arith.constant 0 : i32
    %dma_wait3A_50 = tpu.memref_slice %arg5[%add3A_32, %dma_wait3A_49] : memref<65536x32xf32, #tpu.memory_space<hbm>> -> memref<512x32xf32, #tpu.memory_space<hbm>>
    tpu.wait_dma2 semaphore(%arg16 : memref<!tpu.dma_semaphore, #tpu.memory_space<semaphore_mem>>) src(%arg9 : memref<512x32xf32, #tpu.memory_space<vmem>>) dst(%dma_wait3A_50 : memref<512x32xf32, #tpu.memory_space<hbm>>)
    %dma_start3A_51 = arith.constant 1024 : i32
    %dma_start3A_52 = tpu.memref_slice %arg7[%dma_start3A_51] : memref<2048xi32, #tpu.memory_space<vmem>> -> memref<512xi32, #tpu.memory_space<vmem>>
    %dma_start3A_53 = arith.constant 0 : i32
    %dma_start3A_54 = arith.constant 0 : i32
    %dma_start3A_55 = tpu.memref_slice %arg3[%dma_start3A_53, %dma_start3A_54] : memref<1024x32xf32, #tpu.memory_space<hbm>> -> memref<1024x32xf32, #tpu.memory_space<hbm>>
    tpu.enqueue_indirect_dma source(%dma_start3A_55 : memref<1024x32xf32, #tpu.memory_space<hbm>>) target(%arg9 : memref<512x32xf32, #tpu.memory_space<vmem>>) offsets(%dma_start3A_52 : memref<512xi32, #tpu.memory_space<vmem>>) semaphore(%arg14 : memref<!tpu.dma_semaphore, #tpu.memory_space<semaphore_mem>>)
    %add3A_56 = arith.constant 512 : i32
    %add3A_57 = arith.addi %mul3A_2, %add3A_56 : i32
    %dma_start3A_58 = arith.constant 0 : i32
    %dma_start3A_59 = tpu.memref_slice %arg5[%add3A_57, %dma_start3A_58] : memref<65536x32xf32, #tpu.memory_space<hbm>> -> memref<512x32xf32, #tpu.memory_space<hbm>>
    %dma_start3A_60 = arith.constant 0 : i32
    %dma_start3A_61 = tpu.memref_slice %arg5[%add3A_57, %dma_start3A_60] : memref<65536x32xf32, #tpu.memory_space<hbm>> -> memref<512x32xf32, #tpu.memory_space<hbm>>
    tpu.enqueue_dma source(%arg10 : memref<512x32xf32, #tpu.memory_space<vmem>>) target(%dma_start3A_61 : memref<512x32xf32, #tpu.memory_space<hbm>>) target_semaphore(%arg17 : memref<!tpu.dma_semaphore, #tpu.memory_space<semaphore_mem>>)
    %scan3A_62 = arith.constant 0 : i32
    %scan3A_63 = arith.constant 128 : i32
    %scan3A_64 = arith.addi %scan3A_62, %scan3A_63 : i32
    %scan3A_65 = arith.constant 1 : i32
    %scan3A_66:2 = scf.for %scan3A_135 = %scan3A_62 to %scan3A_64 step %scan3A_65 iter_args(%scan3A_136 = %scan3A_40#0, %scan3A_137 = %scan3A_40#1) -> (vector<16xf32>, vector<16xf32>)  : i32 {
      %mul3A_138 = arith.constant 4 : i32
      %mul3A_139 = arith.muli %scan3A_135, %mul3A_138 : i32
      %add3A_140 = arith.constant 0 : i32
      %add3A_141 = arith.addi %mul3A_139, %add3A_140 : i32
      %add3A_142 = arith.constant 512 : i32
      %add3A_143 = arith.addi %add3A_142, %add3A_141 : i32
      %get3A = arith.index_cast %add3A_141 : i32 to index
      %get3A_144 = arith.constant 0 : index
      %get3A_145 = tpu.vector_load %arg10[%get3A, %get3A_144] {strides = array<i32>} : memref<512x32xf32, #tpu.memory_space<vmem>>, vector<1x16xf32>,
      %get3A_146 = vector.shape_cast %get3A_145 : vector<1x16xf32> to vector<16xf32>
      %get3A_147 = arith.index_cast %add3A_143 : i32 to index
      %get3A_148 = arith.constant 0 : index
      %get3A_149 = tpu.vector_load %arg8[%get3A_147, %get3A_148] {strides = array<i32>} : memref<2048x32xf32, #tpu.memory_space<vmem>>, vector<1x16xf32>,
      %get3A_150 = vector.shape_cast %get3A_149 : vector<1x16xf32> to vector<16xf32>
      %sub3A = arith.subf %get3A_146, %get3A_150 : vector<16xf32>
      %get3A_151 = arith.index_cast %add3A_141 : i32 to index
      %get3A_152 = arith.constant 16 : index
      %get3A_153 = tpu.vector_load %arg10[%get3A_151, %get3A_152] {strides = array<i32>} : memref<512x32xf32, #tpu.memory_space<vmem>>, vector<1x16xf32>,
      %get3A_154 = vector.shape_cast %get3A_153 : vector<1x16xf32> to vector<16xf32>
      %get3A_155 = arith.index_cast %add3A_143 : i32 to index
      %get3A_156 = arith.constant 16 : index
      %get3A_157 = tpu.vector_load %arg8[%get3A_155, %get3A_156] {strides = array<i32>} : memref<2048x32xf32, #tpu.memory_space<vmem>>, vector<1x16xf32>,
      %get3A_158 = vector.shape_cast %get3A_157 : vector<1x16xf32> to vector<16xf32>
      %sub3A_159 = arith.subf %get3A_154, %get3A_158 : vector<16xf32>
      %mul3A_160 = arith.mulf %sub3A, %sub3A : vector<16xf32>
      %add3A_161 = arith.addf %scan3A_136, %mul3A_160 : vector<16xf32>
      %mul3A_162 = arith.mulf %sub3A_159, %sub3A_159 : vector<16xf32>
      %add3A_163 = arith.addf %scan3A_137, %mul3A_162 : vector<16xf32>
      %mul3A_164 = arith.constant 4 : i32
      %mul3A_165 = arith.muli %scan3A_135, %mul3A_164 : i32
      %add3A_166 = arith.constant 1 : i32
      %add3A_167 = arith.addi %mul3A_165, %add3A_166 : i32
      %add3A_168 = arith.constant 512 : i32
      %add3A_169 = arith.addi %add3A_168, %add3A_167 : i32
      %get3A_170 = arith.index_cast %add3A_167 : i32 to index
      %get3A_171 = arith.constant 0 : index
      %get3A_172 = tpu.vector_load %arg10[%get3A_170, %get3A_171] {strides = array<i32>} : memref<512x32xf32, #tpu.memory_space<vmem>>, vector<1x16xf32>,
      %get3A_173 = vector.shape_cast %get3A_172 : vector<1x16xf32> to vector<16xf32>
      %get3A_174 = arith.index_cast %add3A_169 : i32 to index
      %get3A_175 = arith.constant 0 : index
      %get3A_176 = tpu.vector_load %arg8[%get3A_174, %get3A_175] {strides = array<i32>} : memref<2048x32xf32, #tpu.memory_space<vmem>>, vector<1x16xf32>,
      %get3A_177 = vector.shape_cast %get3A_176 : vector<1x16xf32> to vector<16xf32>
      %sub3A_178 = arith.subf %get3A_173, %get3A_177 : vector<16xf32>
      %get3A_179 = arith.index_cast %add3A_167 : i32 to index
      %get3A_180 = arith.constant 16 : index
      %get3A_181 = tpu.vector_load %arg10[%get3A_179, %get3A_180] {strides = array<i32>} : memref<512x32xf32, #tpu.memory_space<vmem>>, vector<1x16xf32>,
      %get3A_182 = vector.shape_cast %get3A_181 : vector<1x16xf32> to vector<16xf32>
      %get3A_183 = arith.index_cast %add3A_169 : i32 to index
      %get3A_184 = arith.constant 16 : index
      %get3A_185 = tpu.vector_load %arg8[%get3A_183, %get3A_184] {strides = array<i32>} : memref<2048x32xf32, #tpu.memory_space<vmem>>, vector<1x16xf32>,
      %get3A_186 = vector.shape_cast %get3A_185 : vector<1x16xf32> to vector<16xf32>
      %sub3A_187 = arith.subf %get3A_182, %get3A_186 : vector<16xf32>
      %mul3A_188 = arith.mulf %sub3A_178, %sub3A_178 : vector<16xf32>
      %add3A_189 = arith.addf %add3A_161, %mul3A_188 : vector<16xf32>
      %mul3A_190 = arith.mulf %sub3A_187, %sub3A_187 : vector<16xf32>
      %add3A_191 = arith.addf %add3A_163, %mul3A_190 : vector<16xf32>
      %mul3A_192 = arith.constant 4 : i32
      %mul3A_193 = arith.muli %scan3A_135, %mul3A_192 : i32
      %add3A_194 = arith.constant 2 : i32
      %add3A_195 = arith.addi %mul3A_193, %add3A_194 : i32
      %add3A_196 = arith.constant 512 : i32
      %add3A_197 = arith.addi %add3A_196, %add3A_195 : i32
      %get3A_198 = arith.index_cast %add3A_195 : i32 to index
      %get3A_199 = arith.constant 0 : index
      %get3A_200 = tpu.vector_load %arg10[%get3A_198, %get3A_199] {strides = array<i32>} : memref<512x32xf32, #tpu.memory_space<vmem>>, vector<1x16xf32>,
      %get3A_201 = vector.shape_cast %get3A_200 : vector<1x16xf32> to vector<16xf32>
      %get3A_202 = arith.index_cast %add3A_197 : i32 to index
      %get3A_203 = arith.constant 0 : index
      %get3A_204 = tpu.vector_load %arg8[%get3A_202, %get3A_203] {strides = array<i32>} : memref<2048x32xf32, #tpu.memory_space<vmem>>, vector<1x16xf32>,
      %get3A_205 = vector.shape_cast %get3A_204 : vector<1x16xf32> to vector<16xf32>
      %sub3A_206 = arith.subf %get3A_201, %get3A_205 : vector<16xf32>
      %get3A_207 = arith.index_cast %add3A_195 : i32 to index
      %get3A_208 = arith.constant 16 : index
      %get3A_209 = tpu.vector_load %arg10[%get3A_207, %get3A_208] {strides = array<i32>} : memref<512x32xf32, #tpu.memory_space<vmem>>, vector<1x16xf32>,
      %get3A_210 = vector.shape_cast %get3A_209 : vector<1x16xf32> to vector<16xf32>
      %get3A_211 = arith.index_cast %add3A_197 : i32 to index
      %get3A_212 = arith.constant 16 : index
      %get3A_213 = tpu.vector_load %arg8[%get3A_211, %get3A_212] {strides = array<i32>} : memref<2048x32xf32, #tpu.memory_space<vmem>>, vector<1x16xf32>,
      %get3A_214 = vector.shape_cast %get3A_213 : vector<1x16xf32> to vector<16xf32>
      %sub3A_215 = arith.subf %get3A_210, %get3A_214 : vector<16xf32>
      %mul3A_216 = arith.mulf %sub3A_206, %sub3A_206 : vector<16xf32>
      %add3A_217 = arith.addf %add3A_189, %mul3A_216 : vector<16xf32>
      %mul3A_218 = arith.mulf %sub3A_215, %sub3A_215 : vector<16xf32>
      %add3A_219 = arith.addf %add3A_191, %mul3A_218 : vector<16xf32>
      %mul3A_220 = arith.constant 4 : i32
      %mul3A_221 = arith.muli %scan3A_135, %mul3A_220 : i32
      %add3A_222 = arith.constant 3 : i32
      %add3A_223 = arith.addi %mul3A_221, %add3A_222 : i32
      %add3A_224 = arith.constant 512 : i32
      %add3A_225 = arith.addi %add3A_224, %add3A_223 : i32
      %get3A_226 = arith.index_cast %add3A_223 : i32 to index
      %get3A_227 = arith.constant 0 : index
      %get3A_228 = tpu.vector_load %arg10[%get3A_226, %get3A_227] {strides = array<i32>} : memref<512x32xf32, #tpu.memory_space<vmem>>, vector<1x16xf32>,
      %get3A_229 = vector.shape_cast %get3A_228 : vector<1x16xf32> to vector<16xf32>
      %get3A_230 = arith.index_cast %add3A_225 : i32 to index
      %get3A_231 = arith.constant 0 : index
      %get3A_232 = tpu.vector_load %arg8[%get3A_230, %get3A_231] {strides = array<i32>} : memref<2048x32xf32, #tpu.memory_space<vmem>>, vector<1x16xf32>,
      %get3A_233 = vector.shape_cast %get3A_232 : vector<1x16xf32> to vector<16xf32>
      %sub3A_234 = arith.subf %get3A_229, %get3A_233 : vector<16xf32>
      %get3A_235 = arith.index_cast %add3A_223 : i32 to index
      %get3A_236 = arith.constant 16 : index
      %get3A_237 = tpu.vector_load %arg10[%get3A_235, %get3A_236] {strides = array<i32>} : memref<512x32xf32, #tpu.memory_space<vmem>>, vector<1x16xf32>,
      %get3A_238 = vector.shape_cast %get3A_237 : vector<1x16xf32> to vector<16xf32>
      %get3A_239 = arith.index_cast %add3A_225 : i32 to index
      %get3A_240 = arith.constant 16 : index
      %get3A_241 = tpu.vector_load %arg8[%get3A_239, %get3A_240] {strides = array<i32>} : memref<2048x32xf32, #tpu.memory_space<vmem>>, vector<1x16xf32>,
      %get3A_242 = vector.shape_cast %get3A_241 : vector<1x16xf32> to vector<16xf32>
      %sub3A_243 = arith.subf %get3A_238, %get3A_242 : vector<16xf32>
      %mul3A_244 = arith.mulf %sub3A_234, %sub3A_234 : vector<16xf32>
      %add3A_245 = arith.addf %add3A_217, %mul3A_244 : vector<16xf32>
      %mul3A_246 = arith.mulf %sub3A_243, %sub3A_243 : vector<16xf32>
      %add3A_247 = arith.addf %add3A_219, %mul3A_246 : vector<16xf32>
      scf.yield %add3A_245, %add3A_247 : vector<16xf32>, vector<16xf32>
    }
    %scan3A_67 = arith.constant 128 : i32
    %dma_wait3A_68 = arith.constant 1024 : i32
    %dma_wait3A_69 = tpu.memref_slice %arg7[%dma_wait3A_68] : memref<2048xi32, #tpu.memory_space<vmem>> -> memref<512xi32, #tpu.memory_space<vmem>>
    %dma_wait3A_70 = arith.constant 0 : i32
    %dma_wait3A_71 = arith.constant 0 : i32
    %dma_wait3A_72 = tpu.memref_slice %arg3[%dma_wait3A_70, %dma_wait3A_71] : memref<1024x32xf32, #tpu.memory_space<hbm>> -> memref<1024x32xf32, #tpu.memory_space<hbm>>
    tpu.wait_indirect_dma semaphore(%arg14 : memref<!tpu.dma_semaphore, #tpu.memory_space<semaphore_mem>>) src(%dma_wait3A_72 : memref<1024x32xf32, #tpu.memory_space<hbm>>) dst(%arg9 : memref<512x32xf32, #tpu.memory_space<vmem>>)
    %dma_wait3A_73 = arith.constant 0 : i32
    %dma_wait3A_74 = tpu.memref_slice %arg5[%add3A_57, %dma_wait3A_73] : memref<65536x32xf32, #tpu.memory_space<hbm>> -> memref<512x32xf32, #tpu.memory_space<hbm>>
    %dma_wait3A_75 = arith.constant 0 : i32
    %dma_wait3A_76 = tpu.memref_slice %arg5[%add3A_57, %dma_wait3A_75] : memref<65536x32xf32, #tpu.memory_space<hbm>> -> memref<512x32xf32, #tpu.memory_space<hbm>>
    tpu.wait_dma2 semaphore(%arg17 : memref<!tpu.dma_semaphore, #tpu.memory_space<semaphore_mem>>) src(%arg10 : memref<512x32xf32, #tpu.memory_space<vmem>>) dst(%dma_wait3A_76 : memref<512x32xf32, #tpu.memory_space<hbm>>)
    %dma_start3A_77 = arith.constant 1536 : i32
    %dma_start3A_78 = tpu.memref_slice %arg7[%dma_start3A_77] : memref<2048xi32, #tpu.memory_space<vmem>> -> memref<512xi32, #tpu.memory_space<vmem>>
    %dma_start3A_79 = arith.constant 0 : i32
    %dma_start3A_80 = arith.constant 0 : i32
    %dma_start3A_81 = tpu.memref_slice %arg3[%dma_start3A_79, %dma_start3A_80] : memref<1024x32xf32, #tpu.memory_space<hbm>> -> memref<1024x32xf32, #tpu.memory_space<hbm>>
    tpu.enqueue_indirect_dma source(%dma_start3A_81 : memref<1024x32xf32, #tpu.memory_space<hbm>>) target(%arg10 : memref<512x32xf32, #tpu.memory_space<vmem>>) offsets(%dma_start3A_78 : memref<512xi32, #tpu.memory_space<vmem>>) semaphore(%arg15 : memref<!tpu.dma_semaphore, #tpu.memory_space<semaphore_mem>>)
    %add3A_82 = arith.constant 1024 : i32
    %add3A_83 = arith.addi %mul3A_2, %add3A_82 : i32
    %dma_start3A_84 = arith.constant 0 : i32
    %dma_start3A_85 = tpu.memref_slice %arg5[%add3A_83, %dma_start3A_84] : memref<65536x32xf32, #tpu.memory_space<hbm>> -> memref<512x32xf32, #tpu.memory_space<hbm>>
    %dma_start3A_86 = arith.constant 0 : i32
    %dma_start3A_87 = tpu.memref_slice %arg5[%add3A_83, %dma_start3A_86] : memref<65536x32xf32, #tpu.memory_space<hbm>> -> memref<512x32xf32, #tpu.memory_space<hbm>>
    tpu.enqueue_dma source(%arg9 : memref<512x32xf32, #tpu.memory_space<vmem>>) target(%dma_start3A_87 : memref<512x32xf32, #tpu.memory_space<hbm>>) target_semaphore(%arg16 : memref<!tpu.dma_semaphore, #tpu.memory_space<semaphore_mem>>)
    %scan3A_88 = arith.constant 0 : i32
    %scan3A_89 = arith.constant 128 : i32
    %scan3A_90 = arith.addi %scan3A_88, %scan3A_89 : i32
    %scan3A_91 = arith.constant 1 : i32
    %scan3A_92:2 = scf.for %scan3A_135 = %scan3A_88 to %scan3A_90 step %scan3A_91 iter_args(%scan3A_136 = %scan3A_66#0, %scan3A_137 = %scan3A_66#1) -> (vector<16xf32>, vector<16xf32>)  : i32 {
      %mul3A_138 = arith.constant 4 : i32
      %mul3A_139 = arith.muli %scan3A_135, %mul3A_138 : i32
      %add3A_140 = arith.constant 0 : i32
      %add3A_141 = arith.addi %mul3A_139, %add3A_140 : i32
      %add3A_142 = arith.constant 1024 : i32
      %add3A_143 = arith.addi %add3A_142, %add3A_141 : i32
      %get3A = arith.index_cast %add3A_141 : i32 to index
      %get3A_144 = arith.constant 0 : index
      %get3A_145 = tpu.vector_load %arg9[%get3A, %get3A_144] {strides = array<i32>} : memref<512x32xf32, #tpu.memory_space<vmem>>, vector<1x16xf32>,
      %get3A_146 = vector.shape_cast %get3A_145 : vector<1x16xf32> to vector<16xf32>
      %get3A_147 = arith.index_cast %add3A_143 : i32 to index
      %get3A_148 = arith.constant 0 : index
      %get3A_149 = tpu.vector_load %arg8[%get3A_147, %get3A_148] {strides = array<i32>} : memref<2048x32xf32, #tpu.memory_space<vmem>>, vector<1x16xf32>,
      %get3A_150 = vector.shape_cast %get3A_149 : vector<1x16xf32> to vector<16xf32>
      %sub3A = arith.subf %get3A_146, %get3A_150 : vector<16xf32>
      %get3A_151 = arith.index_cast %add3A_141 : i32 to index
      %get3A_152 = arith.constant 16 : index
      %get3A_153 = tpu.vector_load %arg9[%get3A_151, %get3A_152] {strides = array<i32>} : memref<512x32xf32, #tpu.memory_space<vmem>>, vector<1x16xf32>,
      %get3A_154 = vector.shape_cast %get3A_153 : vector<1x16xf32> to vector<16xf32>
      %get3A_155 = arith.index_cast %add3A_143 : i32 to index
      %get3A_156 = arith.constant 16 : index
      %get3A_157 = tpu.vector_load %arg8[%get3A_155, %get3A_156] {strides = array<i32>} : memref<2048x32xf32, #tpu.memory_space<vmem>>, vector<1x16xf32>,
      %get3A_158 = vector.shape_cast %get3A_157 : vector<1x16xf32> to vector<16xf32>
      %sub3A_159 = arith.subf %get3A_154, %get3A_158 : vector<16xf32>
      %mul3A_160 = arith.mulf %sub3A, %sub3A : vector<16xf32>
      %add3A_161 = arith.addf %scan3A_136, %mul3A_160 : vector<16xf32>
      %mul3A_162 = arith.mulf %sub3A_159, %sub3A_159 : vector<16xf32>
      %add3A_163 = arith.addf %scan3A_137, %mul3A_162 : vector<16xf32>
      %mul3A_164 = arith.constant 4 : i32
      %mul3A_165 = arith.muli %scan3A_135, %mul3A_164 : i32
      %add3A_166 = arith.constant 1 : i32
      %add3A_167 = arith.addi %mul3A_165, %add3A_166 : i32
      %add3A_168 = arith.constant 1024 : i32
      %add3A_169 = arith.addi %add3A_168, %add3A_167 : i32
      %get3A_170 = arith.index_cast %add3A_167 : i32 to index
      %get3A_171 = arith.constant 0 : index
      %get3A_172 = tpu.vector_load %arg9[%get3A_170, %get3A_171] {strides = array<i32>} : memref<512x32xf32, #tpu.memory_space<vmem>>, vector<1x16xf32>,
      %get3A_173 = vector.shape_cast %get3A_172 : vector<1x16xf32> to vector<16xf32>
      %get3A_174 = arith.index_cast %add3A_169 : i32 to index
      %get3A_175 = arith.constant 0 : index
      %get3A_176 = tpu.vector_load %arg8[%get3A_174, %get3A_175] {strides = array<i32>} : memref<2048x32xf32, #tpu.memory_space<vmem>>, vector<1x16xf32>,
      %get3A_177 = vector.shape_cast %get3A_176 : vector<1x16xf32> to vector<16xf32>
      %sub3A_178 = arith.subf %get3A_173, %get3A_177 : vector<16xf32>
      %get3A_179 = arith.index_cast %add3A_167 : i32 to index
      %get3A_180 = arith.constant 16 : index
      %get3A_181 = tpu.vector_load %arg9[%get3A_179, %get3A_180] {strides = array<i32>} : memref<512x32xf32, #tpu.memory_space<vmem>>, vector<1x16xf32>,
      %get3A_182 = vector.shape_cast %get3A_181 : vector<1x16xf32> to vector<16xf32>
      %get3A_183 = arith.index_cast %add3A_169 : i32 to index
      %get3A_184 = arith.constant 16 : index
      %get3A_185 = tpu.vector_load %arg8[%get3A_183, %get3A_184] {strides = array<i32>} : memref<2048x32xf32, #tpu.memory_space<vmem>>, vector<1x16xf32>,
      %get3A_186 = vector.shape_cast %get3A_185 : vector<1x16xf32> to vector<16xf32>
      %sub3A_187 = arith.subf %get3A_182, %get3A_186 : vector<16xf32>
      %mul3A_188 = arith.mulf %sub3A_178, %sub3A_178 : vector<16xf32>
      %add3A_189 = arith.addf %add3A_161, %mul3A_188 : vector<16xf32>
      %mul3A_190 = arith.mulf %sub3A_187, %sub3A_187 : vector<16xf32>
      %add3A_191 = arith.addf %add3A_163, %mul3A_190 : vector<16xf32>
      %mul3A_192 = arith.constant 4 : i32
      %mul3A_193 = arith.muli %scan3A_135, %mul3A_192 : i32
      %add3A_194 = arith.constant 2 : i32
      %add3A_195 = arith.addi %mul3A_193, %add3A_194 : i32
      %add3A_196 = arith.constant 1024 : i32
      %add3A_197 = arith.addi %add3A_196, %add3A_195 : i32
      %get3A_198 = arith.index_cast %add3A_195 : i32 to index
      %get3A_199 = arith.constant 0 : index
      %get3A_200 = tpu.vector_load %arg9[%get3A_198, %get3A_199] {strides = array<i32>} : memref<512x32xf32, #tpu.memory_space<vmem>>, vector<1x16xf32>,
      %get3A_201 = vector.shape_cast %get3A_200 : vector<1x16xf32> to vector<16xf32>
      %get3A_202 = arith.index_cast %add3A_197 : i32 to index
      %get3A_203 = arith.constant 0 : index
      %get3A_204 = tpu.vector_load %arg8[%get3A_202, %get3A_203] {strides = array<i32>} : memref<2048x32xf32, #tpu.memory_space<vmem>>, vector<1x16xf32>,
      %get3A_205 = vector.shape_cast %get3A_204 : vector<1x16xf32> to vector<16xf32>
      %sub3A_206 = arith.subf %get3A_201, %get3A_205 : vector<16xf32>
      %get3A_207 = arith.index_cast %add3A_195 : i32 to index
      %get3A_208 = arith.constant 16 : index
      %get3A_209 = tpu.vector_load %arg9[%get3A_207, %get3A_208] {strides = array<i32>} : memref<512x32xf32, #tpu.memory_space<vmem>>, vector<1x16xf32>,
      %get3A_210 = vector.shape_cast %get3A_209 : vector<1x16xf32> to vector<16xf32>
      %get3A_211 = arith.index_cast %add3A_197 : i32 to index
      %get3A_212 = arith.constant 16 : index
      %get3A_213 = tpu.vector_load %arg8[%get3A_211, %get3A_212] {strides = array<i32>} : memref<2048x32xf32, #tpu.memory_space<vmem>>, vector<1x16xf32>,
      %get3A_214 = vector.shape_cast %get3A_213 : vector<1x16xf32> to vector<16xf32>
      %sub3A_215 = arith.subf %get3A_210, %get3A_214 : vector<16xf32>
      %mul3A_216 = arith.mulf %sub3A_206, %sub3A_206 : vector<16xf32>
      %add3A_217 = arith.addf %add3A_189, %mul3A_216 : vector<16xf32>
      %mul3A_218 = arith.mulf %sub3A_215, %sub3A_215 : vector<16xf32>
      %add3A_219 = arith.addf %add3A_191, %mul3A_218 : vector<16xf32>
      %mul3A_220 = arith.constant 4 : i32
      %mul3A_221 = arith.muli %scan3A_135, %mul3A_220 : i32
      %add3A_222 = arith.constant 3 : i32
      %add3A_223 = arith.addi %mul3A_221, %add3A_222 : i32
      %add3A_224 = arith.constant 1024 : i32
      %add3A_225 = arith.addi %add3A_224, %add3A_223 : i32
      %get3A_226 = arith.index_cast %add3A_223 : i32 to index
      %get3A_227 = arith.constant 0 : index
      %get3A_228 = tpu.vector_load %arg9[%get3A_226, %get3A_227] {strides = array<i32>} : memref<512x32xf32, #tpu.memory_space<vmem>>, vector<1x16xf32>,
      %get3A_229 = vector.shape_cast %get3A_228 : vector<1x16xf32> to vector<16xf32>
      %get3A_230 = arith.index_cast %add3A_225 : i32 to index
      %get3A_231 = arith.constant 0 : index
      %get3A_232 = tpu.vector_load %arg8[%get3A_230, %get3A_231] {strides = array<i32>} : memref<2048x32xf32, #tpu.memory_space<vmem>>, vector<1x16xf32>,
      %get3A_233 = vector.shape_cast %get3A_232 : vector<1x16xf32> to vector<16xf32>
      %sub3A_234 = arith.subf %get3A_229, %get3A_233 : vector<16xf32>
      %get3A_235 = arith.index_cast %add3A_223 : i32 to index
      %get3A_236 = arith.constant 16 : index
      %get3A_237 = tpu.vector_load %arg9[%get3A_235, %get3A_236] {strides = array<i32>} : memref<512x32xf32, #tpu.memory_space<vmem>>, vector<1x16xf32>,
      %get3A_238 = vector.shape_cast %get3A_237 : vector<1x16xf32> to vector<16xf32>
      %get3A_239 = arith.index_cast %add3A_225 : i32 to index
      %get3A_240 = arith.constant 16 : index
      %get3A_241 = tpu.vector_load %arg8[%get3A_239, %get3A_240] {strides = array<i32>} : memref<2048x32xf32, #tpu.memory_space<vmem>>, vector<1x16xf32>,
      %get3A_242 = vector.shape_cast %get3A_241 : vector<1x16xf32> to vector<16xf32>
      %sub3A_243 = arith.subf %get3A_238, %get3A_242 : vector<16xf32>
      %mul3A_244 = arith.mulf %sub3A_234, %sub3A_234 : vector<16xf32>
      %add3A_245 = arith.addf %add3A_217, %mul3A_244 : vector<16xf32>
      %mul3A_246 = arith.mulf %sub3A_243, %sub3A_243 : vector<16xf32>
      %add3A_247 = arith.addf %add3A_219, %mul3A_246 : vector<16xf32>
      scf.yield %add3A_245, %add3A_247 : vector<16xf32>, vector<16xf32>
    }
    %scan3A_93 = arith.constant 128 : i32
    %dma_wait3A_94 = arith.constant 1536 : i32
    %dma_wait3A_95 = tpu.memref_slice %arg7[%dma_wait3A_94] : memref<2048xi32, #tpu.memory_space<vmem>> -> memref<512xi32, #tpu.memory_space<vmem>>
    %dma_wait3A_96 = arith.constant 0 : i32
    %dma_wait3A_97 = arith.constant 0 : i32
    %dma_wait3A_98 = tpu.memref_slice %arg3[%dma_wait3A_96, %dma_wait3A_97] : memref<1024x32xf32, #tpu.memory_space<hbm>> -> memref<1024x32xf32, #tpu.memory_space<hbm>>
    tpu.wait_indirect_dma semaphore(%arg15 : memref<!tpu.dma_semaphore, #tpu.memory_space<semaphore_mem>>) src(%dma_wait3A_98 : memref<1024x32xf32, #tpu.memory_space<hbm>>) dst(%arg10 : memref<512x32xf32, #tpu.memory_space<vmem>>)
    %add3A_99 = arith.constant 1536 : i32
    %add3A_100 = arith.addi %mul3A_2, %add3A_99 : i32
    %dma_start3A_101 = arith.constant 0 : i32
    %dma_start3A_102 = tpu.memref_slice %arg5[%add3A_100, %dma_start3A_101] : memref<65536x32xf32, #tpu.memory_space<hbm>> -> memref<512x32xf32, #tpu.memory_space<hbm>>
    %dma_start3A_103 = arith.constant 0 : i32
    %dma_start3A_104 = tpu.memref_slice %arg5[%add3A_100, %dma_start3A_103] : memref<65536x32xf32, #tpu.memory_space<hbm>> -> memref<512x32xf32, #tpu.memory_space<hbm>>
    tpu.enqueue_dma source(%arg10 : memref<512x32xf32, #tpu.memory_space<vmem>>) target(%dma_start3A_104 : memref<512x32xf32, #tpu.memory_space<hbm>>) target_semaphore(%arg17 : memref<!tpu.dma_semaphore, #tpu.memory_space<semaphore_mem>>)
    %scan3A_105 = arith.constant 0 : i32
    %scan3A_106 = arith.constant 128 : i32
    %scan3A_107 = arith.addi %scan3A_105, %scan3A_106 : i32
    %scan3A_108 = arith.constant 1 : i32
    %scan3A_109:2 = scf.for %scan3A_135 = %scan3A_105 to %scan3A_107 step %scan3A_108 iter_args(%scan3A_136 = %scan3A_92#0, %scan3A_137 = %scan3A_92#1) -> (vector<16xf32>, vector<16xf32>)  : i32 {
      %mul3A_138 = arith.constant 4 : i32
      %mul3A_139 = arith.muli %scan3A_135, %mul3A_138 : i32
      %add3A_140 = arith.constant 0 : i32
      %add3A_141 = arith.addi %mul3A_139, %add3A_140 : i32
      %add3A_142 = arith.constant 1536 : i32
      %add3A_143 = arith.addi %add3A_142, %add3A_141 : i32
      %get3A = arith.index_cast %add3A_141 : i32 to index
      %get3A_144 = arith.constant 0 : index
      %get3A_145 = tpu.vector_load %arg10[%get3A, %get3A_144] {strides = array<i32>} : memref<512x32xf32, #tpu.memory_space<vmem>>, vector<1x16xf32>,
      %get3A_146 = vector.shape_cast %get3A_145 : vector<1x16xf32> to vector<16xf32>
      %get3A_147 = arith.index_cast %add3A_143 : i32 to index
      %get3A_148 = arith.constant 0 : index
      %get3A_149 = tpu.vector_load %arg8[%get3A_147, %get3A_148] {strides = array<i32>} : memref<2048x32xf32, #tpu.memory_space<vmem>>, vector<1x16xf32>,
      %get3A_150 = vector.shape_cast %get3A_149 : vector<1x16xf32> to vector<16xf32>
      %sub3A = arith.subf %get3A_146, %get3A_150 : vector<16xf32>
      %get3A_151 = arith.index_cast %add3A_141 : i32 to index
      %get3A_152 = arith.constant 16 : index
      %get3A_153 = tpu.vector_load %arg10[%get3A_151, %get3A_152] {strides = array<i32>} : memref<512x32xf32, #tpu.memory_space<vmem>>, vector<1x16xf32>,
      %get3A_154 = vector.shape_cast %get3A_153 : vector<1x16xf32> to vector<16xf32>
      %get3A_155 = arith.index_cast %add3A_143 : i32 to index
      %get3A_156 = arith.constant 16 : index
      %get3A_157 = tpu.vector_load %arg8[%get3A_155, %get3A_156] {strides = array<i32>} : memref<2048x32xf32, #tpu.memory_space<vmem>>, vector<1x16xf32>,
      %get3A_158 = vector.shape_cast %get3A_157 : vector<1x16xf32> to vector<16xf32>
      %sub3A_159 = arith.subf %get3A_154, %get3A_158 : vector<16xf32>
      %mul3A_160 = arith.mulf %sub3A, %sub3A : vector<16xf32>
      %add3A_161 = arith.addf %scan3A_136, %mul3A_160 : vector<16xf32>
      %mul3A_162 = arith.mulf %sub3A_159, %sub3A_159 : vector<16xf32>
      %add3A_163 = arith.addf %scan3A_137, %mul3A_162 : vector<16xf32>
      %mul3A_164 = arith.constant 4 : i32
      %mul3A_165 = arith.muli %scan3A_135, %mul3A_164 : i32
      %add3A_166 = arith.constant 1 : i32
      %add3A_167 = arith.addi %mul3A_165, %add3A_166 : i32
      %add3A_168 = arith.constant 1536 : i32
      %add3A_169 = arith.addi %add3A_168, %add3A_167 : i32
      %get3A_170 = arith.index_cast %add3A_167 : i32 to index
      %get3A_171 = arith.constant 0 : index
      %get3A_172 = tpu.vector_load %arg10[%get3A_170, %get3A_171] {strides = array<i32>} : memref<512x32xf32, #tpu.memory_space<vmem>>, vector<1x16xf32>,
      %get3A_173 = vector.shape_cast %get3A_172 : vector<1x16xf32> to vector<16xf32>
      %get3A_174 = arith.index_cast %add3A_169 : i32 to index
      %get3A_175 = arith.constant 0 : index
      %get3A_176 = tpu.vector_load %arg8[%get3A_174, %get3A_175] {strides = array<i32>} : memref<2048x32xf32, #tpu.memory_space<vmem>>, vector<1x16xf32>,
      %get3A_177 = vector.shape_cast %get3A_176 : vector<1x16xf32> to vector<16xf32>
      %sub3A_178 = arith.subf %get3A_173, %get3A_177 : vector<16xf32>
      %get3A_179 = arith.index_cast %add3A_167 : i32 to index
      %get3A_180 = arith.constant 16 : index
      %get3A_181 = tpu.vector_load %arg10[%get3A_179, %get3A_180] {strides = array<i32>} : memref<512x32xf32, #tpu.memory_space<vmem>>, vector<1x16xf32>,
      %get3A_182 = vector.shape_cast %get3A_181 : vector<1x16xf32> to vector<16xf32>
      %get3A_183 = arith.index_cast %add3A_169 : i32 to index
      %get3A_184 = arith.constant 16 : index
      %get3A_185 = tpu.vector_load %arg8[%get3A_183, %get3A_184] {strides = array<i32>} : memref<2048x32xf32, #tpu.memory_space<vmem>>, vector<1x16xf32>,
      %get3A_186 = vector.shape_cast %get3A_185 : vector<1x16xf32> to vector<16xf32>
      %sub3A_187 = arith.subf %get3A_182, %get3A_186 : vector<16xf32>
      %mul3A_188 = arith.mulf %sub3A_178, %sub3A_178 : vector<16xf32>
      %add3A_189 = arith.addf %add3A_161, %mul3A_188 : vector<16xf32>
      %mul3A_190 = arith.mulf %sub3A_187, %sub3A_187 : vector<16xf32>
      %add3A_191 = arith.addf %add3A_163, %mul3A_190 : vector<16xf32>
      %mul3A_192 = arith.constant 4 : i32
      %mul3A_193 = arith.muli %scan3A_135, %mul3A_192 : i32
      %add3A_194 = arith.constant 2 : i32
      %add3A_195 = arith.addi %mul3A_193, %add3A_194 : i32
      %add3A_196 = arith.constant 1536 : i32
      %add3A_197 = arith.addi %add3A_196, %add3A_195 : i32
      %get3A_198 = arith.index_cast %add3A_195 : i32 to index
      %get3A_199 = arith.constant 0 : index
      %get3A_200 = tpu.vector_load %arg10[%get3A_198, %get3A_199] {strides = array<i32>} : memref<512x32xf32, #tpu.memory_space<vmem>>, vector<1x16xf32>,
      %get3A_201 = vector.shape_cast %get3A_200 : vector<1x16xf32> to vector<16xf32>
      %get3A_202 = arith.index_cast %add3A_197 : i32 to index
      %get3A_203 = arith.constant 0 : index
      %get3A_204 = tpu.vector_load %arg8[%get3A_202, %get3A_203] {strides = array<i32>} : memref<2048x32xf32, #tpu.memory_space<vmem>>, vector<1x16xf32>,
      %get3A_205 = vector.shape_cast %get3A_204 : vector<1x16xf32> to vector<16xf32>
      %sub3A_206 = arith.subf %get3A_201, %get3A_205 : vector<16xf32>
      %get3A_207 = arith.index_cast %add3A_195 : i32 to index
      %get3A_208 = arith.constant 16 : index
      %get3A_209 = tpu.vector_load %arg10[%get3A_207, %get3A_208] {strides = array<i32>} : memref<512x32xf32, #tpu.memory_space<vmem>>, vector<1x16xf32>,
      %get3A_210 = vector.shape_cast %get3A_209 : vector<1x16xf32> to vector<16xf32>
      %get3A_211 = arith.index_cast %add3A_197 : i32 to index
      %get3A_212 = arith.constant 16 : index
      %get3A_213 = tpu.vector_load %arg8[%get3A_211, %get3A_212] {strides = array<i32>} : memref<2048x32xf32, #tpu.memory_space<vmem>>, vector<1x16xf32>,
      %get3A_214 = vector.shape_cast %get3A_213 : vector<1x16xf32> to vector<16xf32>
      %sub3A_215 = arith.subf %get3A_210, %get3A_214 : vector<16xf32>
      %mul3A_216 = arith.mulf %sub3A_206, %sub3A_206 : vector<16xf32>
      %add3A_217 = arith.addf %add3A_189, %mul3A_216 : vector<16xf32>
      %mul3A_218 = arith.mulf %sub3A_215, %sub3A_215 : vector<16xf32>
      %add3A_219 = arith.addf %add3A_191, %mul3A_218 : vector<16xf32>
      %mul3A_220 = arith.constant 4 : i32
      %mul3A_221 = arith.muli %scan3A_135, %mul3A_220 : i32
      %add3A_222 = arith.constant 3 : i32
      %add3A_223 = arith.addi %mul3A_221, %add3A_222 : i32
      %add3A_224 = arith.constant 1536 : i32
      %add3A_225 = arith.addi %add3A_224, %add3A_223 : i32
      %get3A_226 = arith.index_cast %add3A_223 : i32 to index
      %get3A_227 = arith.constant 0 : index
      %get3A_228 = tpu.vector_load %arg10[%get3A_226, %get3A_227] {strides = array<i32>} : memref<512x32xf32, #tpu.memory_space<vmem>>, vector<1x16xf32>,
      %get3A_229 = vector.shape_cast %get3A_228 : vector<1x16xf32> to vector<16xf32>
      %get3A_230 = arith.index_cast %add3A_225 : i32 to index
      %get3A_231 = arith.constant 0 : index
      %get3A_232 = tpu.vector_load %arg8[%get3A_230, %get3A_231] {strides = array<i32>} : memref<2048x32xf32, #tpu.memory_space<vmem>>, vector<1x16xf32>,
      %get3A_233 = vector.shape_cast %get3A_232 : vector<1x16xf32> to vector<16xf32>
      %sub3A_234 = arith.subf %get3A_229, %get3A_233 : vector<16xf32>
      %get3A_235 = arith.index_cast %add3A_223 : i32 to index
      %get3A_236 = arith.constant 16 : index
      %get3A_237 = tpu.vector_load %arg10[%get3A_235, %get3A_236] {strides = array<i32>} : memref<512x32xf32, #tpu.memory_space<vmem>>, vector<1x16xf32>,
      %get3A_238 = vector.shape_cast %get3A_237 : vector<1x16xf32> to vector<16xf32>
      %get3A_239 = arith.index_cast %add3A_225 : i32 to index
      %get3A_240 = arith.constant 16 : index
      %get3A_241 = tpu.vector_load %arg8[%get3A_239, %get3A_240] {strides = array<i32>} : memref<2048x32xf32, #tpu.memory_space<vmem>>, vector<1x16xf32>,
      %get3A_242 = vector.shape_cast %get3A_241 : vector<1x16xf32> to vector<16xf32>
      %sub3A_243 = arith.subf %get3A_238, %get3A_242 : vector<16xf32>
      %mul3A_244 = arith.mulf %sub3A_234, %sub3A_234 : vector<16xf32>
      %add3A_245 = arith.addf %add3A_217, %mul3A_244 : vector<16xf32>
      %mul3A_246 = arith.mulf %sub3A_243, %sub3A_243 : vector<16xf32>
      %add3A_247 = arith.addf %add3A_219, %mul3A_246 : vector<16xf32>
      scf.yield %add3A_245, %add3A_247 : vector<16xf32>, vector<16xf32>
    }
    %scan3A_110 = arith.constant 128 : i32
    %add3A_111 = arith.addf %scan3A_109#0, %scan3A_109#1 : vector<16xf32>
    %swap3A = arith.constant 0 : index
    %swap3A_112 = tpu.vector_load %arg11[%swap3A] {strides = array<i32>} : memref<16xf32, #tpu.memory_space<vmem>>, vector<16xf32>,
    %swap3A_113 = vector.shape_cast %swap3A_112 : vector<16xf32> to vector<16xf32>
    %swap3A_114 = vector.shape_cast %add3A_111 : vector<16xf32> to vector<16xf32>
    tpu.vector_store %arg11[%swap3A], %swap3A_114 {strides = array<i32>} : memref<16xf32, #tpu.memory_space<vmem>>, vector<16xf32>,
    %dma_wait3A_115 = arith.constant 0 : i32
    %dma_wait3A_116 = tpu.memref_slice %arg5[%add3A_83, %dma_wait3A_115] : memref<65536x32xf32, #tpu.memory_space<hbm>> -> memref<512x32xf32, #tpu.memory_space<hbm>>
    %dma_wait3A_117 = arith.constant 0 : i32
    %dma_wait3A_118 = tpu.memref_slice %arg5[%add3A_83, %dma_wait3A_117] : memref<65536x32xf32, #tpu.memory_space<hbm>> -> memref<512x32xf32, #tpu.memory_space<hbm>>
    tpu.wait_dma2 semaphore(%arg16 : memref<!tpu.dma_semaphore, #tpu.memory_space<semaphore_mem>>) src(%arg9 : memref<512x32xf32, #tpu.memory_space<vmem>>) dst(%dma_wait3A_118 : memref<512x32xf32, #tpu.memory_space<hbm>>)
    %dma_wait3A_119 = arith.constant 0 : i32
    %dma_wait3A_120 = tpu.memref_slice %arg5[%add3A_100, %dma_wait3A_119] : memref<65536x32xf32, #tpu.memory_space<hbm>> -> memref<512x32xf32, #tpu.memory_space<hbm>>
    %dma_wait3A_121 = arith.constant 0 : i32
    %dma_wait3A_122 = tpu.memref_slice %arg5[%add3A_100, %dma_wait3A_121] : memref<65536x32xf32, #tpu.memory_space<hbm>> -> memref<512x32xf32, #tpu.memory_space<hbm>>
    tpu.wait_dma2 semaphore(%arg17 : memref<!tpu.dma_semaphore, #tpu.memory_space<semaphore_mem>>) src(%arg10 : memref<512x32xf32, #tpu.memory_space<vmem>>) dst(%dma_wait3A_122 : memref<512x32xf32, #tpu.memory_space<hbm>>)
    %dma_start3A_123 = arith.constant 0 : i32
    %dma_start3A_124 = tpu.memref_slice %arg6[%add3A, %dma_start3A_123] : memref<32x16xf32, #tpu.memory_space<hbm>> -> memref<1x16xf32, #tpu.memory_space<hbm>>
    %dma_start3A_125 = tpu.memref_squeeze %dma_start3A_124 : memref<1x16xf32, #tpu.memory_space<hbm>> -> memref<16xf32, #tpu.memory_space<hbm>>
    %dma_start3A_126 = arith.constant 0 : i32
    %dma_start3A_127 = tpu.memref_slice %arg6[%add3A, %dma_start3A_126] : memref<32x16xf32, #tpu.memory_space<hbm>> -> memref<1x16xf32, #tpu.memory_space<hbm>>
    %dma_start3A_128 = tpu.memref_squeeze %dma_start3A_127 : memref<1x16xf32, #tpu.memory_space<hbm>> -> memref<16xf32, #tpu.memory_space<hbm>>
    tpu.enqueue_dma source(%arg11 : memref<16xf32, #tpu.memory_space<vmem>>) target(%dma_start3A_128 : memref<16xf32, #tpu.memory_space<hbm>>) target_semaphore(%arg18 : memref<!tpu.dma_semaphore, #tpu.memory_space<semaphore_mem>>)
    %dma_wait3A_129 = arith.constant 0 : i32
    %dma_wait3A_130 = tpu.memref_slice %arg6[%add3A, %dma_wait3A_129] : memref<32x16xf32, #tpu.memory_space<hbm>> -> memref<1x16xf32, #tpu.memory_space<hbm>>
    %dma_wait3A_131 = tpu.memref_squeeze %dma_wait3A_130 : memref<1x16xf32, #tpu.memory_space<hbm>> -> memref<16xf32, #tpu.memory_space<hbm>>
    %dma_wait3A_132 = arith.constant 0 : i32
    %dma_wait3A_133 = tpu.memref_slice %arg6[%add3A, %dma_wait3A_132] : memref<32x16xf32, #tpu.memory_space<hbm>> -> memref<1x16xf32, #tpu.memory_space<hbm>>
    %dma_wait3A_134 = tpu.memref_squeeze %dma_wait3A_133 : memref<1x16xf32, #tpu.memory_space<hbm>> -> memref<16xf32, #tpu.memory_space<hbm>>
    tpu.wait_dma2 semaphore(%arg18 : memref<!tpu.dma_semaphore, #tpu.memory_space<semaphore_mem>>) src(%arg11 : memref<16xf32, #tpu.memory_space<vmem>>) dst(%dma_wait3A_134 : memref<16xf32, #tpu.memory_space<hbm>>)
    return
  }
}

module attributes {stable_mosaic.version = 14 : i64} {
  func.func @_tc_argmax_kernel(%arg0: i32, %arg1: memref<1024x32xf32, #tpu.memory_space<vmem>>, %arg2: memref<1024x32xf32, #tpu.memory_space<vmem>>, %arg3: memref<1x1x1024xi32, #tpu.memory_space<vmem>>, %arg4: memref<1024x32xf32, #tpu.memory_space<vmem>>, %arg5: memref<1x1024xf32, #tpu.memory_space<vmem>>) attributes {dimension_semantics = [#tpu.dimension_semantics<arbitrary>], iteration_bounds = array<i64: 64>, scalar_prefetch = 0 : i64, scratch_operands = 2 : i64, tpu.core_type = #tpu.core_type<tc>, window_params = [{transform_indices = @transform_0, window_bounds = array<i64: 1024, 32>}, {pipeline_mode = #tpu.pipeline_mode<synchronous>, transform_indices = @transform_1, window_bounds = array<i64: 1024, 32>}, {transform_indices = @transform_2, window_bounds = array<i64: 1, 1, 1024>}]} {
    %eq3A = arith.constant 0 : i32
    %eq3A_0 = arith.cmpi eq, %arg0, %eq3A : i32
    %convert_element_type3A = arith.extui %eq3A_0 : i1 to i32
    %cond3A = arith.constant 0 : i32
    %cond3A_1 = arith.cmpi ne, %convert_element_type3A, %cond3A : i32
    scf.if %cond3A_1 {
      %get3A_29 = arith.constant 0 : index
      %get3A_30 = arith.constant 0 : index
      %get3A_31 = vector.load %arg2[%get3A_29, %get3A_30] : memref<1024x32xf32, #tpu.memory_space<vmem>>, vector<1024x32xf32>
      %mul3A_32 = arith.mulf %get3A_31, %get3A_31 : vector<1024x32xf32>
      %reduce_sum3A_33 = arith.constant dense<0.000000e+00> : vector<1024xf32>
      %reduce_sum3A_34 = vector.multi_reduction <add>, %mul3A_32, %reduce_sum3A_33 [1] : vector<1024x32xf32> to vector<1024xf32>
      %broadcast_in_dim3A_35 = vector.shape_cast %reduce_sum3A_34 : vector<1024xf32> to vector<1024x1xf32>
      %sqrt3A_36 = math.sqrt %broadcast_in_dim3A_35 : vector<1024x1xf32>
      %max3A_37 = arith.constant 9.99999996E-13 : f32
      %max3A_38 = vector.broadcast %max3A_37 : f32 to vector<1024x1xf32>
      %max3A_39 = arith.maximumf %sqrt3A_36, %max3A_38 : vector<1024x1xf32>
      %div3A_40 = vector.broadcast %max3A_39 : vector<1024x1xf32> to vector<1024x32xf32>
      %div3A_41 = arith.divf %get3A_31, %div3A_40 : vector<1024x32xf32>
      %swap3A_42 = arith.constant 0 : index
      %swap3A_43 = arith.constant 0 : index
      %swap3A_44 = vector.load %arg4[%swap3A_42, %swap3A_43] : memref<1024x32xf32, #tpu.memory_space<vmem>>, vector<1024x32xf32>
      tpu.vector_store %arg4[%swap3A_42, %swap3A_43], %div3A_41 {strides = array<i32>} : memref<1024x32xf32, #tpu.memory_space<vmem>>, vector<1024x32xf32>,
      %mul3A_45 = arith.mulf %div3A_41, %div3A_41 : vector<1024x32xf32>
      %reduce_sum3A_46 = arith.constant dense<0.000000e+00> : vector<1024xf32>
      %reduce_sum3A_47 = vector.multi_reduction <add>, %mul3A_45, %reduce_sum3A_46 [1] : vector<1024x32xf32> to vector<1024xf32>
      %reshape3A = vector.shape_cast %reduce_sum3A_47 : vector<1024xf32> to vector<1x1024xf32>
      %swap3A_48 = arith.constant 0 : index
      %swap3A_49 = arith.constant 0 : index
      %swap3A_50 = vector.load %arg5[%swap3A_48, %swap3A_49] : memref<1x1024xf32, #tpu.memory_space<vmem>>, vector<1x1024xf32>
      tpu.vector_store %arg5[%swap3A_48, %swap3A_49], %reshape3A {strides = array<i32>} : memref<1x1024xf32, #tpu.memory_space<vmem>>, vector<1x1024xf32>,
    } else {
    }
    %get3A = arith.constant 0 : index
    %get3A_2 = arith.constant 0 : index
    %get3A_3 = vector.load %arg1[%get3A, %get3A_2] : memref<1024x32xf32, #tpu.memory_space<vmem>>, vector<1024x32xf32>
    %mul3A = arith.mulf %get3A_3, %get3A_3 : vector<1024x32xf32>
    %reduce_sum3A = arith.constant dense<0.000000e+00> : vector<1024xf32>
    %reduce_sum3A_4 = vector.multi_reduction <add>, %mul3A, %reduce_sum3A [1] : vector<1024x32xf32> to vector<1024xf32>
    %broadcast_in_dim3A = vector.shape_cast %reduce_sum3A_4 : vector<1024xf32> to vector<1024x1xf32>
    %sqrt3A = math.sqrt %broadcast_in_dim3A : vector<1024x1xf32>
    %max3A = arith.constant 9.99999996E-13 : f32
    %max3A_5 = vector.broadcast %max3A : f32 to vector<1024x1xf32>
    %max3A_6 = arith.maximumf %sqrt3A, %max3A_5 : vector<1024x1xf32>
    %div3A = vector.broadcast %max3A_6 : vector<1024x1xf32> to vector<1024x32xf32>
    %div3A_7 = arith.divf %get3A_3, %div3A : vector<1024x32xf32>
    %mul3A_8 = arith.mulf %div3A_7, %div3A_7 : vector<1024x32xf32>
    %reduce_sum3A_9 = arith.constant dense<0.000000e+00> : vector<1024xf32>
    %reduce_sum3A_10 = vector.multi_reduction <add>, %mul3A_8, %reduce_sum3A_9 [1] : vector<1024x32xf32> to vector<1024xf32>
    %broadcast_in_dim3A_11 = vector.shape_cast %reduce_sum3A_10 : vector<1024xf32> to vector<1024x1xf32>
    %get3A_12 = arith.constant 0 : index
    %get3A_13 = arith.constant 0 : index
    %get3A_14 = vector.load %arg4[%get3A_12, %get3A_13] : memref<1024x32xf32, #tpu.memory_space<vmem>>, vector<1024x32xf32>
    %dot_general3A = arith.constant dense<0.000000e+00> : vector<1024x1024xf32>
    %dot_general3A_15 = tpu.matmul %div3A_7, %get3A_14, %dot_general3A {dimension_numbers = #tpu.dot_dimension_numbers<[1], [1], [0], [0], [0, 0, 1, 0], [], []>, transpose_lhs_hint = false} : vector<1024x32xf32>, vector<1024x32xf32>, vector<1024x1024xf32> -> vector<1024x1024xf32>
    %get3A_16 = arith.constant 0 : index
    %get3A_17 = arith.constant 0 : index
    %get3A_18 = vector.load %arg5[%get3A_16, %get3A_17] : memref<1x1024xf32, #tpu.memory_space<vmem>>, vector<1x1024xf32>
    %add3A = vector.broadcast %broadcast_in_dim3A_11 : vector<1024x1xf32> to vector<1024x1024xf32>
    %add3A_19 = vector.broadcast %get3A_18 : vector<1x1024xf32> to vector<1024x1024xf32>
    %add3A_20 = arith.addf %add3A, %add3A_19 : vector<1024x1024xf32>
    %mul3A_21 = arith.constant 2.000000e+00 : f32
    %mul3A_22 = vector.broadcast %mul3A_21 : f32 to vector<1024x1024xf32>
    %mul3A_23 = arith.mulf %mul3A_22, %dot_general3A_15 : vector<1024x1024xf32>
    %sub3A = arith.subf %add3A_20, %mul3A_23 : vector<1024x1024xf32>
    %argmin3A = tpu.reduce_index %sub3A {axis = 1 : i32, kind = #tpu.reduction_kind<arg_min>} : vector<1024x1024xf32> -> vector<1024xi32>
    %swap3A = arith.constant 0 : index
    %swap3A_24 = arith.constant 0 : index
    %swap3A_25 = arith.constant 0 : index
    %swap3A_26 = vector.load %arg3[%swap3A, %swap3A_24, %swap3A_25] : memref<1x1x1024xi32, #tpu.memory_space<vmem>>, vector<1x1x1024xi32>
    %swap3A_27 = vector.shape_cast %swap3A_26 : vector<1x1x1024xi32> to vector<1024xi32>
    %swap3A_28 = vector.shape_cast %argmin3A : vector<1024xi32> to vector<1x1x1024xi32>
    tpu.vector_store %arg3[%swap3A, %swap3A_24, %swap3A_25], %swap3A_28 {strides = array<i32>} : memref<1x1x1024xi32, #tpu.memory_space<vmem>>, vector<1x1x1024xi32>,
    return
  }
  func.func @transform_0(%arg0: i32) -> (i32, i32) {
    %c0_i32 = arith.constant 0 : i32
    %c0_i32_0 = arith.constant 0 : i32
    return %arg0, %c0_i32 : i32, i32
  }
  func.func @transform_1(%arg0: i32) -> (i32, i32) {
    %c0_i32 = arith.constant 0 : i32
    %c0_i32_0 = arith.constant 0 : i32
    %c0_i32_1 = arith.constant 0 : i32
    return %c0_i32, %c0_i32_0 : i32, i32
  }
  func.func @transform_2(%arg0: i32) -> (i32, i32, i32) {
    %c0_i32 = arith.constant 0 : i32
    %c0_i32_0 = arith.constant 0 : i32
    %c0_i32_1 = arith.constant 0 : i32
    return %arg0, %c0_i32, %c0_i32_0 : i32, i32, i32
  }
}

</mosaic_0001>

<sc_bundles>
// kernel: kernel.4.cloned.1.call-start
scs
__scs_entry_jumppad:
0x0: {  	(pc) =	sbr.rel $0x88, $3  }
0x1: {  	(tag) =	ssettag $0x0;
	lr =	simm.s32 $0x1  }
0x2: {  	[smem:$0x3F9F] =	sst lr;
	_ =	strace $0xD0000000  }
0x3: {  	_ = 	snop  }
0x4: {  	_ = 	snop  }
0x5: {  	_ = 	snop  }
0x6: {  	_ = 	snop  }
0x7: {  	_ = 	snop  }
__scs_overlays_trampoline_lowered:
0x8: {  	[smem:$0x3FAE] =	sst s0  }
0x9: {  	[smem:$0x3FAF] =	sst s1  }
0xa: {  	[smem:$0x3FB0] =	sst s2  }
0xb: {  	[smem:$0x3FB1] =	sst s3  }
0xc: {  	[smem:$0x3FB2] =	sst s4  }
0xd: {  	[smem:$0x3FB3] =	sst s5  }
0xe: {  	[smem:$0x3FB4] =	sst s6  }
0xf: {  	[smem:$0x3FB5] =	sst s7  }
0x10: {  	[smem:$0x3FB6] =	sst s8  }
0x11: {  	[smem:$0x3FB7] =	sst s9;
	s0 =	simm.s32 @!p0 $0x0  }
0x12: {  	s1 =	sld [smem:$0x3F9D];
	s0 =	simm.s32 @p0 $0x1  }
0x13: {  	[smem:$0x3FB8] =	sst s0;
	s0 =	simm.s32 @!p1 $0x0  }
0x14: {  	s2 =	sld [smem:$0x3F9C];
	s0 =	simm.s32 @p1 $0x1  }
0x15: {  	[smem:$0x3FB9] =	sst s0;
	s0 =	simm.s32 @!p2 $0x0  }
0x16: {  	s3 =	sld [smem:$0x3FDB];
	s0 =	simm.s32 @p2 $0x1  }
0x17: {  	s4 =	simm.s32 $0x1BF5;
	[smem:$0x3FBB] =	sst s0  }
0x18: {  	s0 =	sld [smem:$0x3F9E];
	_ =	swait.ge [sflag:s4], $0x0  }
0x19: {  	s7 =	sld [smem:$0x3F9F]  }
0x1a: {  	s8 =	sadd.s32 $0xFFFFE003, lr  }
0x1b: {  	s9 =	sadd.s32 $0xFFFFFEF7, lr;
	s5 =	simm.s32 $0xFFFFFFFF;
	p2 =	slt.u32 s8, $0xFFFFF086  }
0x1c: {  	p1 =	slt.u32 s9, $0xF7A;
	s5 =	simm.s32 @!p2 $0x0  }
0x1d: {  	s5 =	simm.s32 @p1 $0x1;
	p0 =	seq.s32 s7, s2  }
0x1e: {  	s7 =	smul.u32 @!p0 $0xF7A, s2;
	p2 =	seq.s32 @!p0 s5, $0x0  }
0x1f: {  	s9 =	smul.u32 $0xF7A, s1;
	s8 =	simm.s32 @!p0 $0x1BF5;
	p2 =	por !p2, p0  }
0x20: {  	[sflag:s8] =	ssyncset.s32 @!p0 $0xFFFFF086;
	s6 =	sadd.s32 @!p0 s3, s7;
	s7 =	simm.s32 @!p0 $0x108  }
0x21: {  	s3 =	sadd.s32 s3, s9;
	s6 =	sadd.s32 @!p0 $0x88, s6;
	s7 =	simm.s32 @p2 $0x1082  }
0x22: {  	[simem:s7], [sflag:s8] =	dma.local @!p0 [hbm:s6], $0xF7A  }
0x23: {  	s9 =	sor.u32 $0xD0000000, s2;
	s6 =	simm.s32 $0x108;
	_ =	swait.ge @!p0 [sflag:s8], $0x0  }
0x24: {  	s3 =	sadd.s32 $0x88, s3;
	s6 =	simm.s32 @!p1 $0x1082;
	[sflag:s4] =	ssyncset.s32 $0xFFFFF086  }
0x25: {  	[simem:s6], [sflag:s4] =	dma.local [hbm:s3], $0xF7A  }
0x26: {  	[smem:$0x3F9F] =	sst s1;
	(tag) =	ssettag s2;
	_ =	strace s9  }
0x27: {  	s1 =	sld [smem:$0x3FAF]  }
0x28: {  	s2 =	sld [smem:$0x3FB0]  }
0x29: {  	s4 =	sld [smem:$0x3FB2]  }
0x2a: {  	p0 =	seq.s32 s5, $0x0;
	s5 =	sld [smem:$0x3FB3]  }
0x2b: {  	s6 =	sld [smem:$0x3FB4]  }
0x2c: {  	s7 =	sld [smem:$0x3FB5]  }
0x2d: {  	s3 =	simm.s32 $0x108;
	s8 =	sld [smem:$0x3FB6]  }
0x2e: {  	s3 =	simm.s32 @!p0 $0x1082;
	s9 =	sld [smem:$0x3FB7]  }
0x2f: {  	lr =	sadd.s32 s0, s3;
	s0 =	sld [smem:$0x3FAE]  }
0x30: {  	s3 =	sld [smem:$0x3FB1]  }
0x31: {  	[smem:$0x3FBA] =	sst s10  }
0x32: {  	s10 =	sld [smem:$0x3FB8];
	_ =	sdelay $0x3  }
0x33: {  	p0 =	seq.s32 s10, $0x1;
	s10 =	sld [smem:$0x3FBA];
	_ =	sdelay $0x3  }
0x34: {  	[smem:$0x3FBA] =	sst s10  }
0x35: {  	s10 =	sld [smem:$0x3FB9];
	_ =	sdelay $0x3  }
0x36: {  	p1 =	seq.s32 s10, $0x1;
	s10 =	sld [smem:$0x3FBA];
	_ =	sdelay $0x3  }
0x37: {  	[smem:$0x3FBA] =	sst s10  }
0x38: {  	s10 =	sld [smem:$0x3FBB]  }
0x39: {  	_ = 	snop;
	(pc) =	sbr.ind lr, $3  }
0x3a: {  	_ = 	snop  }
0x3b: {  	_ = 	snop  }
0x3c: {  	p2 =	seq.s32 s10, $0x1;
	s10 =	sld [smem:$0x3FBA]  }
0x3d: {  	_ =	shalt  }
0x3e: {  	_ =	shalt  }
0x3f: {  	_ =	shalt  }
0x40: {  	_ =	shalt  }
0x41: {  	_ =	shalt  }
0x42: {  	_ =	shalt  }
0x43: {  	_ =	shalt  }
0x44: {  	_ =	shalt  }
0x45: {  	_ =	shalt  }
0x46: {  	_ =	shalt  }
0x47: {  	_ =	shalt  }
0x48: {  	_ =	shalt  }
0x49: {  	_ =	shalt  }
0x4a: {  	_ =	shalt  }
0x4b: {  	_ =	shalt  }
0x4c: {  	_ =	shalt  }
0x4d: {  	_ =	shalt  }
0x4e: {  	_ =	shalt  }
0x4f: {  	_ =	shalt  }
0x50: {  	_ =	shalt  }
0x51: {  	_ =	shalt  }
0x52: {  	_ =	shalt  }
0x53: {  	_ =	shalt  }
0x54: {  	_ =	shalt  }
0x55: {  	_ =	shalt  }
0x56: {  	_ =	shalt  }
0x57: {  	_ =	shalt  }
0x58: {  	_ =	shalt  }
0x59: {  	_ =	shalt  }
0x5a: {  	_ =	shalt  }
0x5b: {  	_ =	shalt  }
0x5c: {  	_ =	shalt  }
0x5d: {  	_ =	shalt  }
0x5e: {  	_ =	shalt  }
0x5f: {  	_ =	shalt  }
0x60: {  	_ =	shalt  }
0x61: {  	_ =	shalt  }
0x62: {  	_ =	shalt  }
0x63: {  	_ =	shalt  }
0x64: {  	_ =	shalt  }
0x65: {  	_ =	shalt  }
0x66: {  	_ =	shalt  }
0x67: {  	_ =	shalt  }
0x68: {  	_ =	shalt  }
0x69: {  	_ =	shalt  }
0x6a: {  	_ =	shalt  }
0x6b: {  	_ =	shalt  }
0x6c: {  	_ =	shalt  }
0x6d: {  	_ =	shalt  }
0x6e: {  	_ =	shalt  }
0x6f: {  	_ =	shalt  }
0x70: {  	_ =	shalt  }
0x71: {  	_ =	shalt  }
0x72: {  	_ =	shalt  }
0x73: {  	_ =	shalt  }
0x74: {  	_ =	shalt  }
0x75: {  	_ =	shalt  }
0x76: {  	_ =	shalt  }
0x77: {  	_ =	shalt  }
0x78: {  	_ =	shalt  }
0x79: {  	_ =	shalt  }
0x7a: {  	_ =	shalt  }
0x7b: {  	_ =	shalt  }
0x7c: {  	_ =	shalt  }
0x7d: {  	_ =	shalt  }
0x7e: {  	_ =	shalt  }
0x7f: {  	_ =	shalt  }
0x80: {  	_ =	shalt  }
0x81: {  	_ =	shalt  }
0x82: {  	_ =	shalt  }
0x83: {  	_ =	shalt  }
0x84: {  	_ =	shalt  }
0x85: {  	_ =	shalt  }
0x86: {  	_ =	shalt  }
0x87: {  	_ =	shalt  }
.Lfunc_end0:
.L_simem_size_0:
called_computation_lowered:
.L_overlay_start_0:
0x88: {  	s2 =	sld [smem:$0x3FD9]  }
0x89: {  	s3 =	sld [smem:$0x3FFE];
	_ =	sdelay $0x1  }
0x8a: {  	s1 =	srdreg.scid  }
0x8b: {  	s0 =	sand.u32 $0x1, s1  }
0x8c: {  	s14 =	sshll.u32 s0, $0xA;
	s2 =	sadd.s32 s3, s2  }
0x8d: {  	s2 =	sadd.s32 s2, s14  }
0x8e: {  	[smem:$0x3FC6] =	sst s2  }
0x8f: {  	_ = 	snop  }
0x90: {  	s2 =	sld [smem:$0x3FD0];
	_ =	sdelay $0x2  }
0x91: {  	s15 =	simm.s32 $0xA;
	s4 =	simm.s32 $0x10  }
0x92: {  	[smem:s4], [sflag:s15] =	dma.local [hbm:s2], $0x1  }
0x93: {  	_ =	swait.eq [sflag:s15], $0x1  }
0x94: {  	[sflag:s15] =	ssyncset.done $0x0  }
0x95: {  	[sflag:s15] =	ssyncadd.s32 $0xFFFFFFFF  }
0x96: {  	s16 =	sld [smem:$0x10];
	(tm) =	ssettm $0x1  }
0x97: {  	s17 =	sld [smem:$0x3FFB];
	_ =	sdelay $0x3  }
0x98: {  	_ =	strace s17  }
0x99: {  	s3 =	sld [smem:$0x3FFC];
	_ =	sdelay $0x3  }
0x9a: {  	_ =	strace s3  }
0x9b: {  	s3 =	sld [smem:$0x3FFD];
	_ =	sdelay $0x3  }
0x9c: {  	_ =	strace s3  }
0x9d: {  	_ =	strace $0x8FFFFFFF  }
0x9e: {  	s18 =	sld [smem:$0x3FDB];
	_ =	sdelay $0x1  }
0x9f: {  	s19 =	simm.s32 $_scs_section_size  }
0xa0: {  	s5 =	simm.s32 $_size__tile_overlayer_lowered;
	s6 =	simm.s32 $_tile_overlayer_lowered  }
0xa1: {  	s22 =	simm.s32 $0x1BFF;
	s21 =	sshll.u32 s6, $0x1;
	s3 =	sadd.s32 s19, s18  }
0xa2: {  	s7 =	simm.s32 $0x0;
	s20 =	sshll.u32 s5, $0x1;
	s5 =	sadd.s32 s21, s3  }
0xa3: {  	[timem:s7], [sflag:s22] =	dma.local [hbm:s5], s20  }
0xa4: {  	_ =	swait.ge [sflag:s22], s20  }
0xa5: {  	s4 =	ssub.s32 $0x0, s20;
	[sflag:s22] =	ssyncset.done $0x0  }
0xa6: {  	[sflag:s22] =	ssyncadd.s32 s4;
	_ =	sdelay $0x1  }
0xa7: {  	s23 =	simm.s32 $0x1B8B  }
0xa8: {  	_ =	swait.ge [sflag:s23], $0x1  }
0xa9: {  	[sflag:s23] =	ssyncset.done $0x0  }
0xaa: {  	s25 =	simm.s32 $0x1B8E;
	s24 =	sld [smem:$0x3FFE];
	[sflag:s23] =	ssyncadd.s32 $0xFFFFFFFF  }
0xab: {  	s26 =	simm.s32 $execute0_lowered;
	[smem:$0x3FD2] =	sst s25  }
0xac: {  	s5 =	sshll.u32 s26, $0x1;
	_ =	strace $0x80000046;
	[dreg:$0x1] =	wrdreg $0xFFFFFFFF  }
0xad: {  	s28 =	simm.s32 $_size_execute0_lowered;
	s3 =	sadd.s32 s3, s5;
	[dreg:$0x0] =	wrdreg $0x0  }
0xae: {  	s5 =	sshll.u32 s28, $0x1;
	[dreg:$0x2] =	wrdreg s3  }
0xaf: {  	[dreg:$0x3] =	wrdreg s5  }
0xb0: {  	[dreg:$0x4] =	wrdreg $0xC0  }
0xb1: {  	_ =	task [dreg:s7], $0x5FFFF  }
0xb2: {  	[dreg:$0x1] =	wrdreg $0xFFFFFFFF  }
0xb3: {  	[dreg:$0x0] =	wrdreg $0x60  }
0xb4: {  	[dreg:$0x2] =	wrdreg s24  }
0xb5: {  	[dreg:$0x3] =	wrdreg s16  }
0xb6: {  	[dreg:$0x4] =	wrdreg $0x9  }
0xb7: {  	_ =	task.clear_ibuf [dreg:s7], $0x5FFFF;
	_ =	strace $0x90000046  }
0xb8: {  	s29 =	simm.s32 $0x9;
	_ =	strace $0x80000048  }
0xb9: {  	_ =	swait.ge [sflag:s29], $0x1  }
0xba: {  	[sflag:s29] =	ssyncadd.s32 $0xFFFFFFFF  }
0xbb: {  	_ =	strace $0x90000048  }
0xbc: {  	_ =	sfence  }
0xbd: {  	s30 =	sld [smem:$0x0];
	_ =	sdelay $0x2  }
0xbe: {  	s31 =	sshll.u32 s1, $0xD;
	s1 =	sshrl.u32 s1, $0x2  }
0xbf: {  	s3 =	sand.u32 $0x4000, s31;
	s1 =	sadd.s32 s1, s30  }
0xc0: {  	s0 =	sor.u32 s3, s0;
	s1 =	sshll.u32 s1, $0x11  }
0xc1: {  	s0 =	sor.u32 s1, s0  }
0xc2: {  	s0 =	sadd.s32 $0x8F2B, s0  }
0xc3: {  	[sflag:s0] =	ssyncadd.remote.s32 $0x1  }
0xc4: {  	_ =	sfence.sel $0xFFFF  }
0xc5: {  	[dreg:$0x0] =	wrdreg $0xFFFFFFFF;
	(pc) =	sbr.abs _section_cstart, $3  }
0xc6: {  	[dreg:$0x1] =	wrdreg $0xFFFFFFFF  }
0xc7: {  	_ =	task.clear_ibuf [dreg:s7], $0x2FFFF;
	_ =	strace $0x9FFFFFFF  }
0xc8: {  	(tm) =	ssettm $0x7FFFFFFF  }
0xc9: {  	_ =	shalt  }
tec
execute0_lowered:
.L_overlay_start_1:
0x0: {  	(tag) =	ssettag $0x1  }
0x1: {  	s0 =	srdreg.scid;
	s4 =	rddreg [dreg:$0x0]  }
0x2: {  	s6 =	rddreg [dreg:$0x1];
	s1 =	stileid.u32;
	s2 =	simm.s32 $0x0  }
0x3: {  	s13 =	simm.s32 $0x1;
	s14 =	simm.s32 $0x200;
	s15 =	simm.s32 $0x10800  }
0x4: {  	s16 =	simm.s32 $0x2;
	s17 =	simm.s32 $0x3;
	s18 =	simm.s32 $0x14800  }
0x5: {  	s19 =	simm.s32 $0x4;
	s20 =	simm.s32 $0x5;
	s21 =	simm.s32 $0x400  }
0x6: {  	s22 =	simm.s32 $0x6;
	s23 =	simm.s32 $0x600;
	s24 =	simm.s32 $0x18800  }
0x7: {  	s25 =	simm.s32 $0x7;
	s5 =	sand.u32 $0x1, s0;
	s0 =	rddreg [dreg:$0x2]  }
0x8: {  	s26 =	simm.s32 $0x0;
	[smem:$0x7FF] =	sst s2;
	s3 =	sshll.u32 s5, $0x4  }
0x9: {  	_ =	strace $0x80000047;
	s5 =	ssub.s32 $0x2, s5;
	s7 =	sor.u32 s1, s3  }
0xa: {  	s31 =	sshrl.u32 s5, $0x1;
	s3 =	sshll.u32 s7, $0x8;
	s9 =	sshll.u32 s7, $0xD  }
0xb: {  	s7 =	sshll.u32 s7, $0x1;
	s12 =	ssub.s32 s5, s31;
	s8 =	sadd.s32 s3, s4  }
0xc: {  	s3 =	sadd.s32 $0x200, s4;
	s10 =	sadd.s32 s9, s4;
	s11 =	sadd.s32 s7, s4  }
0xd: {  	s5 =	sadd.s32 s6, s9;
	s4 =	sadd.s32 $0x101200, s8;
	s6 =	sadd.s32 $0x1400, s10  }
0xe: {  	s7 =	sadd.s32 $0x1C00, s10;
	s8 =	sadd.s32 $0x2400, s10;
	s9 =	sadd.s32 $0x2C00, s10  }
0xf: {  	s10 =	sadd.s32 $0x1200, s11;
	s11 =	smax.u32 s12, $0x1;
	s12 =	simm.s32 $0x800  }
.LBB2_1:
0x10: {  	[tilespmem:s2], [sflag:$0x1] =	stream.linear.gather [hbm4b:s4+s2], $0x800, $0x38;
	[tilespmem:$0x18810] =	vst v63  }
0x11: {  	_ = 	snop  }
0x12: {  	[tilespmem:s12], [sflag:$0x2] =	stream.linear.gather [hbm4b:s5+s2], $0x10000, $0x38;
	[tilespmem:$0x18810] =	vst v63  }
0x13: {  	_ =	swait.ge [sflag:s13], $0x800  }
0x14: {  	[sflag:s13] =	ssyncset.done $0x0  }
0x15: {  	[sflag:s13] =	ssyncadd.s32 $0xFFFFF800  }
0x16: {  	[tilespmem:s15], [sflag:$0x3] =	stream.indirect.gather [hbm4b:s3+s14], $0x20, s2, s14, $0xb8;
	[tilespmem:$0x18810] =	vst v63  }
0x17: {  	_ =	swait.ge [sflag:s16], $0x10000  }
0x18: {  	[sflag:s16] =	ssyncset.done $0x0  }
0x19: {  	[sflag:s16] =	ssyncadd.s32 $0xFFFF0000  }
0x1a: {  	_ =	swait.ge [sflag:s17], $0x4000  }
0x1b: {  	[sflag:s17] =	ssyncset.done $0x0  }
0x1c: {  	[sflag:s17] =	ssyncadd.s32 $0xFFFFC000  }
0x1d: {  	[tilespmem:s18], [sflag:$0x4] =	stream.indirect.gather [hbm4b:s3+s14], $0x20, s14, s14, $0xb8;
	[tilespmem:$0x18810] =	vst v63  }
0x1e: {  	s28 =	simm.s32 $0x0  }
0x1f: {  	[hbm4b:s6+s2] =	stream.linear.scatter [tilespmem:s15], [sflag:$0x5], $0x4000, $0x38;
	[tilespmem:$0x18810] =	vst v63  }
0x20: {  	v1 =	vld [tilespmem:s28+$0x10860]  }
0x21: {  	v4 =	vld [tilespmem:s28+$0x860]  }
0x22: {  	v3 =	vld [tilespmem:s28+$0x10840]  }
0x23: {  	v5 =	vld [tilespmem:s28+$0x840]  }
0x24: {  	v6 =	vld [tilespmem:s28+$0x10850]  }
0x25: {  	v0 =	vld [tilespmem:s28+$0x10820]  }
0x26: {  	v2 =	vld [tilespmem:s28+$0x820]  }
0x27: {  	v9 =	vld [tilespmem:s28+$0x10800]  }
0x28: {  	v10 =	vld [tilespmem:s28+$0x800]  }
0x29: {  	v7 =	vimm.f32 $0.0e+00;
	s29 =	simm.s32 $0x200;
	v8 =	vimm.f32 $0.0e+00;
	v11 =	vld [tilespmem:s28+$0x10810]  }
.LBB2_2:
0x2a: {  	p0 =	sne.s32 s29, $0xFE00;
	v12 =	vld [tilespmem:s28+$0x810]  }
0x2b: {  	v13 =	vld [tilespmem:s28+$0x10830]  }
0x2c: {  	v14 =	vld [tilespmem:s28+$0x830]  }
0x2d: {  	v15 =	vld [tilespmem:s28+$0x850]  }
0x2e: {  	v16 =	vld [tilespmem:s28+$0x10870]  }
0x2f: {  	v9 =	vsub.f32 v9, v10;
	v10 =	vsub.f32 v11, v12;
	v11 =	vld [tilespmem:s28+$0x870];
	s28 =	sshra.s32 s29, $0x2  }
0x30: {  	v0 =	vsub.f32 v0, v2;
	v12 =	vld [tilespmem:s28+$0x10860]  }
0x31: {  	v2 =	vmul.f32 v9, v9;
	v17 =	vld [tilespmem:s28+$0x860];
	v9 =	vmul.f32 v10, v10;
	v10 =	vsub.f32 v13, v14  }
0x32: {  	v13 =	vmul.f32 v0, v0;
	v0 =	vsub.f32 v3, v5;
	v3 =	vld [tilespmem:s28+$0x10840];
	v14 =	vsub.f32 v6, v15  }
0x33: {  	v2 =	vadd.f32 v2, v7;
	v5 =	vld [tilespmem:s28+$0x840];
	v7 =	vadd.f32 v9, v8;
	v8 =	vmul.f32 v10, v10  }
0x34: {  	v10 =	vmul.f32 v0, v0;
	v9 =	vsub.f32 v1, v4;
	v6 =	vld [tilespmem:s28+$0x10850];
	v11 =	vsub.f32 v16, v11  }
.Ltmp0:
0x35: {  	v13 =	vadd.f32 v13, v2;
	v0 =	vld [tilespmem:s28+$0x10820];
	v7 =	vadd.f32 v8, v7;
	v8 =	vmul.f32 v14, v14;
	v1 =	vmovc v12;
	(pc) =	sbr.rel @p0 .LBB2_2-.Ltmp0, $4  }
0x36: {  	v12 =	vmul.f32 v9, v9;
	v2 =	vld [tilespmem:s28+$0x820];
	v4 =	vmov v17  }
0x37: {  	v13 =	vadd.f32 v10, v13;
	v14 =	vmul.f32 v11, v11;
	v9 =	vld [tilespmem:s28+$0x10800];
	v8 =	vadd.f32 v8, v7  }
0x38: {  	v10 =	vld [tilespmem:s28+$0x800]  }
0x39: {  	s29 =	sadd.s32 $0x200, s29;
	v7 =	vadd.f32 v12, v13;
	v11 =	vld [tilespmem:s28+$0x10810];
	v8 =	vadd.f32 v14, v8  }
0x3a: {  	v12 =	vld [tilespmem:s28+$0x810]  }
0x3b: {  	v13 =	vld [tilespmem:s28+$0x10830]  }
0x3c: {  	v14 =	vld [tilespmem:s28+$0x830]  }
0x3d: {  	v15 =	vld [tilespmem:s28+$0x850]  }
0x3e: {  	v16 =	vld [tilespmem:s28+$0x10870]  }
0x3f: {  	v17 =	vld [tilespmem:s28+$0x870];
	_ =	swait.ge [sflag:s19], $0x4000  }
0x40: {  	[sflag:s19] =	ssyncset.done $0x0  }
0x41: {  	[sflag:s19] =	ssyncadd.s32 $0xFFFFC000  }
0x42: {  	_ =	swait.ge [sflag:s20], $0x4000  }
0x43: {  	[sflag:s20] =	ssyncset.done $0x0  }
0x44: {  	[sflag:s20] =	ssyncadd.s32 $0xFFFFC000  }
0x45: {  	[tilespmem:s15], [sflag:$0x3] =	stream.indirect.gather [hbm4b:s3+s14], $0x20, s21, s14, $0xb8;
	[tilespmem:$0x18810] =	vst v63  }
0x46: {  	s28 =	simm.s32 $0x0  }
0x47: {  	[hbm4b:s7+s28] =	stream.linear.scatter [tilespmem:s18], [sflag:$0x6], $0x4000, $0x38;
	[tilespmem:$0x18810] =	vst v63  }
0x48: {  	v9 =	vsub.f32 v9, v10;
	v10 =	vsub.f32 v11, v12;
	s28 =	simm.s32 $0x0  }
0x49: {  	v11 =	vsub.f32 v0, v2;
	v0 =	vld [tilespmem:s28+$0x14860]  }
0x4a: {  	v9 =	vmul.f32 v9, v9;
	v60 =	vsub.f32 v13, v14;
	v10 =	vmul.f32 v10, v10;
	v2 =	vld [tilespmem:s28+$0x4860]  }
0x4b: {  	v61 =	vsub.f32 v3, v5;
	v62 =	vsub.f32 v6, v15;
	v11 =	vmul.f32 v11, v11;
	v3 =	vld [tilespmem:s28+$0x14840]  }
0x4c: {  	v7 =	vadd.f32 v9, v7;
	v9 =	vmul.f32 v60, v60;
	v8 =	vadd.f32 v10, v8;
	v5 =	vld [tilespmem:s28+$0x4840]  }
0x4d: {  	v4 =	vsub.f32 v1, v4;
	v63 =	vsub.f32 v16, v17;
	v10 =	vmul.f32 v61, v61;
	v6 =	vld [tilespmem:s28+$0x14850]  }
0x4e: {  	v7 =	vadd.f32 v11, v7;
	v1 =	vld [tilespmem:s28+$0x14820];
	v8 =	vadd.f32 v9, v8;
	v9 =	vmul.f32 v62, v62  }
0x4f: {  	v11 =	vmul.f32 v4, v4;
	v4 =	vld [tilespmem:s28+$0x4820]  }
0x50: {  	v12 =	vmul.f32 v63, v63;
	v7 =	vadd.f32 v10, v7;
	v10 =	vld [tilespmem:s28+$0x4800];
	v8 =	vadd.f32 v9, v8  }
0x51: {  	v9 =	vld [tilespmem:s28+$0x14800]  }
0x52: {  	s29 =	simm.s32 $0x200;
	v7 =	vadd.f32 v11, v7;
	v11 =	vld [tilespmem:s28+$0x14810];
	v8 =	vadd.f32 v12, v8  }
.LBB2_4:
0x53: {  	p0 =	sne.s32 s29, $0xFE00;
	v12 =	vld [tilespmem:s28+$0x4810]  }
0x54: {  	v13 =	vld [tilespmem:s28+$0x14830]  }
0x55: {  	v14 =	vld [tilespmem:s28+$0x4830]  }
0x56: {  	v15 =	vld [tilespmem:s28+$0x4850]  }
0x57: {  	v16 =	vld [tilespmem:s28+$0x14870]  }
0x58: {  	v9 =	vsub.f32 v9, v10;
	v10 =	vsub.f32 v11, v12;
	v11 =	vld [tilespmem:s28+$0x4870];
	s28 =	sshra.s32 s29, $0x2  }
0x59: {  	v1 =	vsub.f32 v1, v4;
	v12 =	vld [tilespmem:s28+$0x14860]  }
0x5a: {  	v4 =	vmul.f32 v9, v9;
	v17 =	vld [tilespmem:s28+$0x4860];
	v9 =	vmul.f32 v10, v10;
	v10 =	vsub.f32 v13, v14  }
0x5b: {  	v13 =	vmul.f32 v1, v1;
	v1 =	vsub.f32 v3, v5;
	v3 =	vld [tilespmem:s28+$0x14840];
	v14 =	vsub.f32 v6, v15  }
0x5c: {  	v4 =	vadd.f32 v4, v7;
	v5 =	vld [tilespmem:s28+$0x4840];
	v7 =	vadd.f32 v9, v8;
	v8 =	vmul.f32 v10, v10  }
0x5d: {  	v10 =	vmul.f32 v1, v1;
	v9 =	vsub.f32 v0, v2;
	v6 =	vld [tilespmem:s28+$0x14850];
	v11 =	vsub.f32 v16, v11  }
.Ltmp1:
0x5e: {  	v13 =	vadd.f32 v13, v4;
	v1 =	vld [tilespmem:s28+$0x14820];
	v7 =	vadd.f32 v8, v7;
	v8 =	vmul.f32 v14, v14;
	v0 =	vmovc v12;
	(pc) =	sbr.rel @p0 .LBB2_4-.Ltmp1, $4  }
0x5f: {  	v12 =	vmul.f32 v9, v9;
	v4 =	vld [tilespmem:s28+$0x4820];
	v2 =	vmov v17  }
0x60: {  	v13 =	vadd.f32 v10, v13;
	v14 =	vmul.f32 v11, v11;
	v9 =	vld [tilespmem:s28+$0x14800];
	v8 =	vadd.f32 v8, v7  }
0x61: {  	v10 =	vld [tilespmem:s28+$0x4800]  }
0x62: {  	s29 =	sadd.s32 $0x200, s29;
	v7 =	vadd.f32 v12, v13;
	v11 =	vld [tilespmem:s28+$0x14810];
	v8 =	vadd.f32 v14, v8  }
0x63: {  	v12 =	vld [tilespmem:s28+$0x4810]  }
0x64: {  	v13 =	vld [tilespmem:s28+$0x14830]  }
0x65: {  	v14 =	vld [tilespmem:s28+$0x4830]  }
0x66: {  	v15 =	vld [tilespmem:s28+$0x4850]  }
0x67: {  	v16 =	vld [tilespmem:s28+$0x14870]  }
0x68: {  	v17 =	vld [tilespmem:s28+$0x4870];
	_ =	swait.ge [sflag:s17], $0x4000  }
0x69: {  	[sflag:s17] =	ssyncset.done $0x0  }
0x6a: {  	[sflag:s17] =	ssyncadd.s32 $0xFFFFC000  }
0x6b: {  	_ =	swait.ge [sflag:s22], $0x4000  }
0x6c: {  	[sflag:s22] =	ssyncset.done $0x0  }
0x6d: {  	[sflag:s22] =	ssyncadd.s32 $0xFFFFC000  }
0x6e: {  	[tilespmem:s18], [sflag:$0x4] =	stream.indirect.gather [hbm4b:s3+s14], $0x20, s23, s14, $0xb8;
	[tilespmem:$0x18810] =	vst v63  }
0x6f: {  	s28 =	simm.s32 $0x0  }
0x70: {  	[hbm4b:s8+s28] =	stream.linear.scatter [tilespmem:s15], [sflag:$0x5], $0x4000, $0x38;
	[tilespmem:$0x18810] =	vst v63  }
0x71: {  	v9 =	vsub.f32 v9, v10;
	v10 =	vsub.f32 v11, v12;
	s28 =	simm.s32 $0x0  }
0x72: {  	v11 =	vsub.f32 v1, v4;
	v1 =	vld [tilespmem:s28+$0x10860]  }
0x73: {  	v9 =	vmul.f32 v9, v9;
	v60 =	vsub.f32 v13, v14;
	v10 =	vmul.f32 v10, v10;
	v4 =	vld [tilespmem:s28+$0x8860]  }
0x74: {  	v61 =	vsub.f32 v3, v5;
	v62 =	vsub.f32 v6, v15;
	v11 =	vmul.f32 v11, v11;
	v3 =	vld [tilespmem:s28+$0x10840]  }
0x75: {  	v7 =	vadd.f32 v9, v7;
	v9 =	vmul.f32 v60, v60;
	v8 =	vadd.f32 v10, v8;
	v5 =	vld [tilespmem:s28+$0x8840]  }
0x76: {  	v2 =	vsub.f32 v0, v2;
	v63 =	vsub.f32 v16, v17;
	v10 =	vmul.f32 v61, v61;
	v6 =	vld [tilespmem:s28+$0x10850]  }
0x77: {  	v7 =	vadd.f32 v11, v7;
	v0 =	vld [tilespmem:s28+$0x10820];
	v8 =	vadd.f32 v9, v8;
	v9 =	vmul.f32 v62, v62  }
0x78: {  	v11 =	vmul.f32 v2, v2;
	v2 =	vld [tilespmem:s28+$0x8820]  }
0x79: {  	v12 =	vmul.f32 v63, v63;
	v7 =	vadd.f32 v10, v7;
	v10 =	vld [tilespmem:s28+$0x8800];
	v8 =	vadd.f32 v9, v8  }
0x7a: {  	v9 =	vld [tilespmem:s28+$0x10800]  }
0x7b: {  	s29 =	simm.s32 $0x200;
	v7 =	vadd.f32 v11, v7;
	v11 =	vld [tilespmem:s28+$0x10810];
	v8 =	vadd.f32 v12, v8  }
.LBB2_6:
0x7c: {  	p0 =	sne.s32 s29, $0xFE00;
	v12 =	vld [tilespmem:s28+$0x8810]  }
0x7d: {  	v13 =	vld [tilespmem:s28+$0x10830]  }
0x7e: {  	v14 =	vld [tilespmem:s28+$0x8830]  }
0x7f: {  	v15 =	vld [tilespmem:s28+$0x8850]  }
0x80: {  	v16 =	vld [tilespmem:s28+$0x10870]  }
0x81: {  	v9 =	vsub.f32 v9, v10;
	v10 =	vsub.f32 v11, v12;
	v11 =	vld [tilespmem:s28+$0x8870];
	s28 =	sshra.s32 s29, $0x2  }
0x82: {  	v0 =	vsub.f32 v0, v2;
	v12 =	vld [tilespmem:s28+$0x10860]  }
0x83: {  	v2 =	vmul.f32 v9, v9;
	v17 =	vld [tilespmem:s28+$0x8860];
	v9 =	vmul.f32 v10, v10;
	v10 =	vsub.f32 v13, v14  }
0x84: {  	v13 =	vmul.f32 v0, v0;
	v0 =	vsub.f32 v3, v5;
	v3 =	vld [tilespmem:s28+$0x10840];
	v14 =	vsub.f32 v6, v15  }
0x85: {  	v2 =	vadd.f32 v2, v7;
	v5 =	vld [tilespmem:s28+$0x8840];
	v7 =	vadd.f32 v9, v8;
	v8 =	vmul.f32 v10, v10  }
0x86: {  	v10 =	vmul.f32 v0, v0;
	v9 =	vsub.f32 v1, v4;
	v6 =	vld [tilespmem:s28+$0x10850];
	v11 =	vsub.f32 v16, v11  }
.Ltmp2:
0x87: {  	v13 =	vadd.f32 v13, v2;
	v0 =	vld [tilespmem:s28+$0x10820];
	v7 =	vadd.f32 v8, v7;
	v8 =	vmul.f32 v14, v14;
	v1 =	vmovc v12;
	(pc) =	sbr.rel @p0 .LBB2_6-.Ltmp2, $4  }
0x88: {  	v12 =	vmul.f32 v9, v9;
	v2 =	vld [tilespmem:s28+$0x8820];
	v4 =	vmov v17  }
0x89: {  	v13 =	vadd.f32 v10, v13;
	v14 =	vmul.f32 v11, v11;
	v9 =	vld [tilespmem:s28+$0x10800];
	v8 =	vadd.f32 v8, v7  }
0x8a: {  	v10 =	vld [tilespmem:s28+$0x8800]  }
0x8b: {  	s29 =	sadd.s32 $0x200, s29;
	v7 =	vadd.f32 v12, v13;
	v11 =	vld [tilespmem:s28+$0x10810];
	v8 =	vadd.f32 v14, v8  }
0x8c: {  	v12 =	vld [tilespmem:s28+$0x8810]  }
0x8d: {  	v13 =	vld [tilespmem:s28+$0x10830]  }
0x8e: {  	v14 =	vld [tilespmem:s28+$0x8830]  }
0x8f: {  	v15 =	vld [tilespmem:s28+$0x8850]  }
0x90: {  	v16 =	vld [tilespmem:s28+$0x10870]  }
0x91: {  	v17 =	vld [tilespmem:s28+$0x8870];
	_ =	swait.ge [sflag:s19], $0x4000  }
0x92: {  	[sflag:s19] =	ssyncset.done $0x0  }
0x93: {  	s28 =	simm.s32 $0x0;
	[sflag:s19] =	ssyncadd.s32 $0xFFFFC000  }
0x94: {  	[hbm4b:s9+s28] =	stream.linear.scatter [tilespmem:s18], [sflag:$0x6], $0x4000, $0x38;
	[tilespmem:$0x18810] =	vst v63  }
0x95: {  	v9 =	vsub.f32 v9, v10;
	s28 =	simm.s32 $0x0;
	v10 =	vsub.f32 v11, v12  }
0x96: {  	v60 =	vsub.f32 v3, v5;
	v3 =	vld [tilespmem:s28+$0x14840];
	v11 =	vsub.f32 v0, v2  }
0x97: {  	v5 =	vld [tilespmem:s28+$0xC840];
	v9 =	vmul.f32 v9, v9;
	v59 =	vsub.f32 v13, v14;
	v10 =	vmul.f32 v10, v10  }
0x98: {  	v61 =	vsub.f32 v1, v4;
	v1 =	vld [tilespmem:s28+$0x14850];
	v6 =	vsub.f32 v6, v15;
	v11 =	vmul.f32 v11, v11  }
0x99: {  	v4 =	vld [tilespmem:s28+$0x14820];
	v7 =	vadd.f32 v9, v7;
	v9 =	vmul.f32 v59, v59;
	v8 =	vadd.f32 v10, v8  }
0x9a: {  	v0 =	vld [tilespmem:s28+$0x14860];
	v62 =	vsub.f32 v16, v17;
	v6 =	vmul.f32 v6, v6  }
0x9b: {  	v2 =	vld [tilespmem:s28+$0xC860];
	v10 =	vmul.f32 v60, v60;
	v7 =	vadd.f32 v11, v7;
	v9 =	vadd.f32 v9, v8  }
0x9c: {  	v13 =	vmul.f32 v62, v62;
	v8 =	vld [tilespmem:s28+$0xC820]  }
0x9d: {  	v11 =	vmul.f32 v61, v61;
	v7 =	vadd.f32 v10, v7;
	v10 =	vld [tilespmem:s28+$0xC800];
	v63 =	vadd.f32 v6, v9  }
0x9e: {  	v9 =	vld [tilespmem:s28+$0x14800]  }
0x9f: {  	s29 =	simm.s32 $0x200;
	v6 =	vadd.f32 v11, v7;
	v11 =	vld [tilespmem:s28+$0x14810];
	v7 =	vadd.f32 v13, v63  }
.LBB2_8:
0xa0: {  	p0 =	sne.s32 s29, $0xFE00;
	v12 =	vld [tilespmem:s28+$0xC810]  }
0xa1: {  	v13 =	vld [tilespmem:s28+$0x14830]  }
0xa2: {  	v14 =	vld [tilespmem:s28+$0xC830]  }
0xa3: {  	v15 =	vld [tilespmem:s28+$0xC850]  }
0xa4: {  	v16 =	vld [tilespmem:s28+$0x14870]  }
0xa5: {  	v9 =	vsub.f32 v9, v10;
	v10 =	vsub.f32 v11, v12;
	v11 =	vld [tilespmem:s28+$0xC870];
	s28 =	sshra.s32 s29, $0x2  }
0xa6: {  	v4 =	vsub.f32 v4, v8;
	v12 =	vld [tilespmem:s28+$0x14860]  }
0xa7: {  	v8 =	vmul.f32 v9, v9;
	v17 =	vld [tilespmem:s28+$0xC860];
	v9 =	vmul.f32 v10, v10;
	v10 =	vsub.f32 v13, v14  }
0xa8: {  	v13 =	vmul.f32 v4, v4;
	v4 =	vsub.f32 v3, v5;
	v3 =	vld [tilespmem:s28+$0x14840];
	v14 =	vsub.f32 v1, v15  }
0xa9: {  	v6 =	vadd.f32 v8, v6;
	v5 =	vld [tilespmem:s28+$0xC840];
	v7 =	vadd.f32 v9, v7;
	v8 =	vmul.f32 v10, v10  }
0xaa: {  	v10 =	vmul.f32 v4, v4;
	v9 =	vsub.f32 v0, v2;
	v1 =	vld [tilespmem:s28+$0x14850];
	v11 =	vsub.f32 v16, v11  }
.Ltmp3:
0xab: {  	v6 =	vadd.f32 v13, v6;
	v13 =	vmul.f32 v14, v14;
	v4 =	vld [tilespmem:s28+$0x14820];
	v7 =	vadd.f32 v8, v7;
	v0 =	vmovc v12;
	(pc) =	sbr.rel @p0 .LBB2_8-.Ltmp3, $4  }
0xac: {  	v12 =	vmul.f32 v9, v9;
	v8 =	vld [tilespmem:s28+$0xC820];
	v2 =	vmov v17  }
0xad: {  	v6 =	vadd.f32 v10, v6;
	v9 =	vld [tilespmem:s28+$0x14800];
	v7 =	vadd.f32 v13, v7;
	v13 =	vmul.f32 v11, v11  }
0xae: {  	v10 =	vld [tilespmem:s28+$0xC800]  }
0xaf: {  	s29 =	sadd.s32 $0x200, s29;
	v6 =	vadd.f32 v12, v6;
	v11 =	vld [tilespmem:s28+$0x14810];
	v7 =	vadd.f32 v13, v7  }
0xb0: {  	v12 =	vld [tilespmem:s28+$0xC810]  }
0xb1: {  	v13 =	vld [tilespmem:s28+$0x14830]  }
0xb2: {  	v14 =	vld [tilespmem:s28+$0xC830]  }
0xb3: {  	v15 =	vld [tilespmem:s28+$0xC850]  }
0xb4: {  	v16 =	vld [tilespmem:s28+$0x14870]  }
0xb5: {  	v55 =	vld [tilespmem:s28+$0xC870];
	v9 =	vsub.f32 v9, v10;
	v54 =	vsub.f32 v11, v12  }
0xb6: {  	v4 =	vsub.f32 v4, v8  }
0xb7: {  	v56 =	vmul.f32 v9, v9;
	v58 =	vsub.f32 v13, v14;
	v57 =	vmul.f32 v54, v54  }
0xb8: {  	v3 =	vsub.f32 v3, v5;
	v4 =	vmul.f32 v4, v4;
	v1 =	vsub.f32 v1, v15  }
0xb9: {  	v59 =	vadd.f32 v56, v6;
	v61 =	vmul.f32 v58, v58;
	v60 =	vadd.f32 v57, v7  }
0xba: {  	v0 =	vsub.f32 v0, v2;
	v3 =	vmul.f32 v3, v3;
	v62 =	vsub.f32 v16, v55  }
0xbb: {  	v1 =	vmul.f32 v1, v1;
	v4 =	vadd.f32 v4, v59;
	v63 =	vadd.f32 v61, v60  }
0xbc: {  	v0 =	vmul.f32 v0, v0  }
0xbd: {  	v2 =	vmul.f32 v62, v62;
	v3 =	vadd.f32 v3, v4;
	v1 =	vadd.f32 v1, v63;
	_ =	sdelay $0x1  }
0xbe: {  	v0 =	vadd.f32 v0, v3;
	v1 =	vadd.f32 v2, v1;
	_ =	sdelay $0x1  }
0xbf: {  	v0 =	vadd.f32 v1, v0;
	_ =	sdelay $0x1  }
0xc0: {  	[tilespmem:$0x18800] =	vst v0  }
0xc1: {  	_ =	swait.ge [sflag:s20], $0x4000  }
0xc2: {  	[sflag:s20] =	ssyncset.done $0x0  }
0xc3: {  	[sflag:s20] =	ssyncadd.s32 $0xFFFFC000  }
0xc4: {  	s26 =	sadd.s32 $0x1, s26;
	_ =	swait.ge [sflag:s22], $0x4000  }
0xc5: {  	p0 =	sne.s32 s26, s11;
	[sflag:s22] =	ssyncset.done $0x0  }
.Ltmp4:
0xc6: {  	[sflag:s22] =	ssyncadd.s32 $0xFFFFC000;
	(pc) =	sbr.rel @p0 .LBB2_1-.Ltmp4, $4  }
0xc7: {  	[hbm4b:s10+s2] =	stream.linear.scatter [tilespmem:s24], [sflag:$0x7], $0x10, $0x38;
	[tilespmem:$0x18810] =	vst v63  }
0xc8: {  	_ =	swait.ge [sflag:s25], $0x10  }
0xc9: {  	[sflag:s25] =	ssyncset.done $0x0  }
0xca: {  	[sflag:s25] =	ssyncadd.s32 $0xFFFFFFF0  }
0xcb: {  	_ =	sfence.sel $0x180000  }
0xcc: {  	[bflag:$0x0] =	sbarrier.arrive $0xFFFF  }
0xcd: {  	p0 =	sne.s32 s1, $0x0;
	_ =	strace $0x90000047  }
0xce: {  	s0 =	sadd.s32 @!p0 $0x100000, s0;
	[bflag:$0x2] =	sbarrier.arrive $0xFFFF  }
0xcf: {  	[sflag:s0] =	ssyncadd.tile.s32 @!p0 $0x1;
	_ =	shalt  }
.Lfunc_end2:
_tile_overlayer_lowered:
.L_overlay_start_2:
0xd0: {  	(tag) =	ssettag $0x2  }
0xd1: {  	s0 =	rddreg [dreg:$0x0];
	s2 =	stileid.u32  }
0xd2: {  	s1 =	rddreg [dreg:$0x1];
	p0 =	sne.s32 s2, $0x0  }
0xd3: {  	s3 =	rddreg [dreg:$0x2];
	[bflag:$0x3] =	sbarrier.arrive $0xFFFF;
	s2 =	simm.s32 @!p0 $0x1C08  }
0xd4: {  	[timem:s3], [sflag:s2] =	dma.local @!p0 [hbm:s0], s1  }
0xd5: {  	s0 =	simm.s32 @!p0 $0x8  }
0xd6: {  	_ =	swait.ge @!p0 [sflag:s0], s1  }
0xd7: {  	s1 =	ssub.s32 @!p0 $0x0, s1;
	[sflag:s0] =	ssyncset.done @!p0 $0x0  }
0xd8: {  	[sflag:s0] =	ssyncadd.s32 @!p0 s1  }
0xd9: {  	[bflag:$0x3] =	sbarrier.arrive $0xFFFF  }
0xda: {  	_ =	shalt  }

</sc_bundles>
